<compile_context>
chip_gen: v7x
topology: tpu7x:2x2x1
jax: 0.10.2.dev20260603
libtpu: 0.0.44.dev20260713+nightly
codegen_flags: <defaults>
</compile_context>

<pallas_src>
import functools
import jax
import jax.numpy as jnp
import numpy as np
from jax import lax
from jax.experimental import pallas as pl
from jax.experimental.pallas import tpu as pltpu
from jax.experimental.pallas import tpu_sc as plsc

_N, _E, _DN, _DE, _H, _DO, _G = 10000, 160000, 128, 16, 16, 64, 256

_NC, _NS = 2, 16
_NW = _NC * _NS
_EPW = 5120
_E_PAD = _EPW * _NW
_N_PAD = 10240
_RPS = _N_PAD // _NS

_PK = 8 * _H
_E8 = _E_PAD // 8
_EPW8 = _EPW // 8


def _lrelu(v):
    return jnp.where(v >= 0, v, 0.01 * v)



def _h0_body(x_ref, w_ref, b_ref, o_ref):
    t = jnp.dot(x_ref[...], w_ref[...], preferred_element_type=jnp.float32)
    o_ref[...] = _lrelu(t + b_ref[...])


def _h0(x, w, b):
    return pl.pallas_call(
        _h0_body,
        out_shape=jax.ShapeDtypeStruct((_N, _H), jnp.float32),
    )(x, w, b)


def _msg_body(ea_ref, hs_ref, w1_ref, b1_ref, v_ref, b2m_ref, p_ref, q_ref,
              o_ref):
    ea_bf = ea_ref[...].astype(jnp.bfloat16)
    hs_bf = hs_ref[...].astype(jnp.bfloat16)
    a = jnp.maximum(
        jnp.dot(ea_bf, w1_ref[...], preferred_element_type=jnp.float32)
        + b1_ref[...], 0.0)
    bt = (jnp.dot(a.astype(jnp.bfloat16), p_ref[...],
                  preferred_element_type=jnp.float32)
          * jnp.dot(hs_bf, q_ref[...], preferred_element_type=jnp.float32))
    o_ref[...] = (
        jnp.dot(bt.astype(jnp.bfloat16), v_ref[...],
                preferred_element_type=jnp.float32)
        + jnp.dot(hs_bf, b2m_ref[...], preferred_element_type=jnp.float32))


def _msg(ea8, hs_p, w1bd, b1t, vbd, b2mbd, pbd, qbd, eb8=1024):
    nblk = _E8 // eb8
    full = lambda s: pl.BlockSpec(s, lambda i: (0, 0))
    return pl.pallas_call(
        _msg_body,
        grid=(nblk,),
        in_specs=[
            pl.BlockSpec((eb8, _PK), lambda i: (i, 0)),
            pl.BlockSpec((eb8, _PK), lambda i: (i, 0)),
            full((_PK, _PK)), full((1, _PK)), full((8 * _H * _H, _PK)),
            full((_PK, _PK)), full((_PK, 8 * _H * _H)),
            full((_PK, 8 * _H * _H)),
        ],
        out_specs=pl.BlockSpec((eb8, _PK), lambda i: (i, 0)),
        out_shape=jax.ShapeDtypeStruct((_E8, _PK), jnp.float32),
        compiler_params=pltpu.CompilerParams(
            dimension_semantics=("arbitrary",)),
    )(ea8, hs_p, w1bd, b1t, vbd, b2mbd, pbd, qbd)


def _hroot1_body(h_ref, r_ref, b_ref, o_ref):
    t = (jnp.dot(h_ref[...], r_ref[...], preferred_element_type=jnp.float32)
         + b_ref[...])
    o_ref[pl.ds(0, _N), :] = t
    o_ref[pl.ds(_N, _N_PAD - _N), :] = jnp.zeros((_N_PAD - _N, _H),
                                                 jnp.float32)


def _hroot1(h, r, b):
    return pl.pallas_call(
        _hroot1_body,
        out_shape=jax.ShapeDtypeStruct((_N_PAD, _H), jnp.float32),
    )(h, r, b)


def _hroot2_body(h_ref, rbd_ref, b_ref, o_ref):
    o_ref[...] = (
        jnp.dot(h_ref[...], rbd_ref[...], preferred_element_type=jnp.float32)
        + b_ref[...])


def _hroot2(h_pk, rbd, bt):
    return pl.pallas_call(
        _hroot2_body,
        out_shape=jax.ShapeDtypeStruct((_N_PAD // 8, _PK), jnp.float32),
    )(h_pk, rbd, bt)


def _upd_body(p0_ref, p1_ref, o_ref):
    o_ref[...] = _lrelu(p0_ref[...] + p1_ref[...])


def _upd(p0_pk, p1_pk):
    return pl.pallas_call(
        _upd_body,
        out_shape=jax.ShapeDtypeStruct((_N_PAD // 8, _PK), jnp.float32),
    )(p0_pk, p1_pk)


def _final_body(p0_ref, p1_ref, batch_ref, fcw_ref,
                fcb_ref, ae_ref, out_ref, acc_ref):
    i = pl.program_id(0)
    nblk = pl.num_programs(0)
    ae = _lrelu(p0_ref[...] + p1_ref[...])
    ae_ref[...] = ae
    bvec = batch_ref[0, 0, :]
    onehot_t = (lax.broadcasted_iota(jnp.int32, (_G, bvec.shape[0]), 0)
                == bvec[None, :]).astype(jnp.float32)
    part = jnp.dot(onehot_t, ae, preferred_element_type=jnp.float32)

    @pl.when(i == 0)
    def _():
        acc_ref[...] = part

    @pl.when(i > 0)
    def _():
        acc_ref[...] = acc_ref[...] + part

    @pl.when(i == nblk - 1)
    def _():
        pooled = acc_ref[...]
        nrm = jnp.sqrt(jnp.sum(pooled * pooled, axis=1, keepdims=True))
        normed = pooled / jnp.maximum(nrm, 1e-12)
        out_ref[...] = (
            jnp.dot(normed, fcw_ref[...], preferred_element_type=jnp.float32)
            + fcb_ref[...])


def _final(p0, p1, batch3, fcw, fcb, nb=1000):
    nblk = _N // nb
    full = lambda s: pl.BlockSpec(s, lambda i: tuple(0 for _ in s))
    return pl.pallas_call(
        _final_body,
        grid=(nblk,),
        in_specs=[
            pl.BlockSpec((nb, _H), lambda i: (i, 0)),
            pl.BlockSpec((nb, _H), lambda i: (i, 0)),
            pl.BlockSpec((1, 1, nb), lambda i: (i, 0, 0)),
            full((_H, _DO)), full((1, _DO)),
        ],
        out_specs=[
            pl.BlockSpec((nb, _H), lambda i: (i, 0)),
            pl.BlockSpec((_G, _DO), lambda i: (0, 0)),
        ],
        out_shape=[
            jax.ShapeDtypeStruct((_N, _H), jnp.float32),
            jax.ShapeDtypeStruct((_G, _DO), jnp.float32),
        ],
        scratch_shapes=[pltpu.VMEM((_G, _H), jnp.float32)],
        compiler_params=pltpu.CompilerParams(
            dimension_semantics=("arbitrary",)),
    )(p0, p1, batch3, fcw, fcb)



@functools.cache
def _make_sc_kernels():
    mesh = plsc.VectorSubcoreMesh(
        core_axis_name="c", subcore_axis_name="s",
        num_cores=_NC, num_subcores=_NS)

    nps = _N // _NS

    @functools.partial(
        pl.kernel,
        out_type=jax.ShapeDtypeStruct((_E_PAD, _DE), jnp.float32),
        mesh=mesh,
        scratch_types=[
            pltpu.VMEM((_E // _NW, _DE), jnp.float32),
        ],
        compiler_params=pltpu.CompilerParams(use_tc_tiling_on_sc=False),
    )
    def _sc_eapack(ea_hbm, out_hbm, buf_v):
        c = lax.axis_index("c")
        s = lax.axis_index("s")
        wid = s * _NC + c
        n = _E // _NW
        pltpu.sync_copy(ea_hbm.at[pl.ds(wid * n, n)], buf_v)
        pltpu.sync_copy(buf_v, out_hbm.at[pl.ds(wid * n, n)])

    @functools.partial(
        pl.kernel,
        out_type=jax.ShapeDtypeStruct((_E_PAD, _H), jnp.float32),
        mesh=mesh,
        scratch_types=[
            pltpu.VMEM((_EPW,), jnp.int32),
            pltpu.VMEM((_EPW, _H), jnp.float32),
            pltpu.VMEM_SHARED((_N, _H), jnp.float32),
            pltpu.SemaphoreType.DMA,
        ],
        compiler_params=pltpu.CompilerParams(use_tc_tiling_on_sc=False),
    )
    def _sc_gather(h_hbm, src_hbm, out_hbm, idx_v, rows_v, h_sh, sem):
        c = lax.axis_index("c")
        s = lax.axis_index("s")
        wid = s * _NC + c
        pltpu.sync_copy(h_hbm.at[pl.ds(s * nps, nps)],
                        h_sh.at[pl.ds(s * nps, nps)])
        pltpu.sync_copy(src_hbm.at[pl.ds(wid * _EPW, _EPW)], idx_v)
        plsc.subcore_barrier()
        pltpu.async_copy(h_sh.at[idx_v], rows_v, sem).wait()
        pltpu.sync_copy(rows_v, out_hbm.at[pl.ds(wid * _EPW, _EPW)])


    @functools.partial(
        pl.kernel,
        out_type=(jax.ShapeDtypeStruct((_N_PAD, _H), jnp.float32),
                  jax.ShapeDtypeStruct((_N_PAD, _H), jnp.float32)),
        mesh=mesh,
        scratch_types=[
            pltpu.VMEM((_EPW,), jnp.int32),
            pltpu.VMEM((_EPW, _H), jnp.float32),
            pltpu.VMEM((_RPS, _H), jnp.float32),
            pltpu.VMEM_SHARED((_N_PAD, _H), jnp.float32),
            pltpu.SemaphoreType.DMA,
        ],
        compiler_params=pltpu.CompilerParams(use_tc_tiling_on_sc=False),
    )
    def _sc_scatter(msg_hbm, dst_hbm, hroot_hbm, out0_hbm, out1_hbm, idx_v,
                    rows_v, zero_v, agg_sh, sem):
        c = lax.axis_index("c")
        s = lax.axis_index("s")
        wid = s * _NC + c

        @pl.when(c == 0)
        def _():
            pltpu.sync_copy(hroot_hbm.at[pl.ds(s * _RPS, _RPS)],
                            agg_sh.at[pl.ds(s * _RPS, _RPS)])

        @pl.when(c == 1)
        def _():
            def zbody(i, carry):
                zero_v[i, :] = jnp.zeros((_H,), jnp.float32)
                return carry

            lax.fori_loop(0, _RPS, zbody, 0)
            pltpu.sync_copy(zero_v, agg_sh.at[pl.ds(s * _RPS, _RPS)])

        plsc.subcore_barrier()

        pltpu.sync_copy(dst_hbm.at[pl.ds(wid * _EPW, _EPW)], idx_v)
        pltpu.sync_copy(msg_hbm.at[pl.ds(wid * _EPW, _EPW)], rows_v)
        pltpu.async_copy(rows_v, agg_sh.at[idx_v], sem, add=True).wait()
        plsc.subcore_barrier()

        @pl.when(c == 0)
        def _():
            pltpu.sync_copy(agg_sh.at[pl.ds(s * _RPS, _RPS)],
                            out0_hbm.at[pl.ds(s * _RPS, _RPS)])

        @pl.when(c == 1)
        def _():
            pltpu.sync_copy(agg_sh.at[pl.ds(s * _RPS, _RPS)],
                            out1_hbm.at[pl.ds(s * _RPS, _RPS)])

    return _sc_gather, _sc_scatter, _sc_eapack



def kernel(x, edge_index, edge_attr, batch, nfc_w, nfc_b, efc1_w1, efc1_b1,
           efc1_w2, efc1_b2, gc1_root, gc1_bias, efc2_w1, efc2_b1, efc2_w2,
           efc2_b2, gc2_root, gc2_bias, fc_w, fc_b):
    npad = _E_PAD - _E
    src_p = jnp.concatenate(
        [edge_index[0], jnp.zeros((npad,), jnp.int32)])
    dst_p = jnp.concatenate(
        [edge_index[1], jnp.full((npad,), _N, jnp.int32)])
    batch3 = batch.reshape(10, 1, 1000)

    eye8 = jnp.eye(8, dtype=jnp.float32)
    p_op = jnp.asarray(np.repeat(np.eye(_H, dtype=np.float32), _H, axis=1))
    q_op = jnp.asarray(np.tile(np.eye(_H, dtype=np.float32), (1, _H)))
    pbd = jnp.kron(eye8, p_op).astype(jnp.bfloat16)
    qbd = jnp.kron(eye8, q_op).astype(jnp.bfloat16)

    def bd(m):
        return jnp.kron(eye8, m).astype(jnp.bfloat16)

    w1bd1 = bd(efc1_w1)
    w1bd2 = bd(efc2_w1)
    vbd1 = bd(efc1_w2.reshape(_H * _H, _H))
    vbd2 = bd(efc2_w2.reshape(_H * _H, _H))
    b2mbd1 = bd(efc1_b2.reshape(_H, _H))
    b2mbd2 = bd(efc2_b2.reshape(_H, _H))
    b1t1 = jnp.tile(efc1_b1, 8).reshape(1, _PK)
    b1t2 = jnp.tile(efc2_b1, 8).reshape(1, _PK)

    _sc_gather, _sc_scatter, _sc_eapack = _make_sc_kernels()

    ea8 = _sc_eapack(edge_attr).reshape(_E8, _PK)

    h0 = _h0(x, nfc_w, nfc_b.reshape(1, _H))
    hroot1 = _hroot1(h0, gc1_root, gc1_bias.reshape(1, _H))

    hs1 = _sc_gather(h0, src_p).reshape(_E8, _PK)
    m1 = _msg(ea8, hs1, w1bd1, b1t1, vbd1, b2mbd1, pbd, qbd)
    a1_0, a1_1 = _sc_scatter(m1.reshape(_E_PAD, _H), dst_p, hroot1)
    h1_pk = _upd(a1_0.reshape(_N_PAD // 8, _PK), a1_1.reshape(_N_PAD // 8, _PK))
    h1_lin = h1_pk.reshape(_N_PAD, _H)

    root2bd = jnp.kron(eye8, gc2_root)
    b2t = jnp.tile(gc2_bias, 8).reshape(1, _PK)
    hroot2 = _hroot2(h1_pk, root2bd, b2t).reshape(_N_PAD, _H)

    hs2 = _sc_gather(h1_lin, src_p).reshape(_E8, _PK)
    m2 = _msg(ea8, hs2, w1bd2, b1t2, vbd2, b2mbd2, pbd, qbd)
    a2_0, a2_1 = _sc_scatter(m2.reshape(_E_PAD, _H), dst_p, hroot2)

    atom_embs, out = _final(a2_0, a2_1, batch3, fc_w, fc_b.reshape(1, _DO))
    return (out, atom_embs)

# --- scband reference (transcript-rebuilt; emitter-appended) ---
"""Pipeline reference for scband-mpnn-21131239096634 (READ-ONLY COPY).

The authoritative reference and input builder live on the scoring server;
editing this copy changes nothing except your own understanding.
"""

import jax, jax.numpy as jnp
import numpy as np

N, E, DN, DE, H, DO, G = 10000, 160000, 128, 16, 16, 64, 256


def setup_inputs(seed: int = 0) -> dict:
    key = jax.random.key(seed)
    ks = jax.random.split(key, 20)
    x = jax.random.normal(ks[0], (N, DN), dtype=jnp.float32)
    edge_index = jax.random.randint(ks[1], (2, E), 0, N, dtype=jnp.int32)
    edge_attr = jax.random.normal(ks[2], (E, DE), dtype=jnp.float32)
    batch = jnp.sort(jax.random.randint(ks[3], (N,), 0, G, dtype=jnp.int32))
    s = 0.1
    params = {
        'nfc_w': jax.random.normal(ks[4], (DN, H), dtype=jnp.float32) * s,
        'nfc_b': jnp.zeros((H,), dtype=jnp.float32),
        'efc1_w1': jax.random.normal(ks[5], (DE, H), dtype=jnp.float32) * s,
        'efc1_b1': jnp.zeros((H,), dtype=jnp.float32),
        'efc1_w2': jax.random.normal(ks[6], (H, H * H), dtype=jnp.float32) * 0.05,
        'efc1_b2': jnp.zeros((H * H,), dtype=jnp.float32),
        'gc1_root': jax.random.normal(ks[7], (H, H), dtype=jnp.float32) * s,
        'gc1_bias': jnp.zeros((H,), dtype=jnp.float32),
        'efc2_w1': jax.random.normal(ks[8], (DE, H), dtype=jnp.float32) * s,
        'efc2_b1': jnp.zeros((H,), dtype=jnp.float32),
        'efc2_w2': jax.random.normal(ks[9], (H, H * H), dtype=jnp.float32) * 0.05,
        'efc2_b2': jnp.zeros((H * H,), dtype=jnp.float32),
        'gc2_root': jax.random.normal(ks[10], (H, H), dtype=jnp.float32) * s,
        'gc2_bias': jnp.zeros((H,), dtype=jnp.float32),
        'fc_w': jax.random.normal(ks[11], (H, DO), dtype=jnp.float32) * s,
        'fc_b': jnp.zeros((DO,), dtype=jnp.float32),
    }
    out = {'x': x, 'edge_index': edge_index, 'edge_attr': edge_attr, 'batch': batch}
    out.update(params)
    return out


def _lrelu(v):
    return jnp.where(v >= 0, v, 0.01 * v)


def reference(x, edge_index, edge_attr, batch, nfc_w, nfc_b, efc1_w1, efc1_b1,
              efc1_w2, efc1_b2, gc1_root, gc1_bias, efc2_w1, efc2_b1, efc2_w2,
              efc2_b2, gc2_root, gc2_bias, fc_w, fc_b):
    src = edge_index[0]
    dst = edge_index[1]

    def nnconv(h, w1, b1, w2, b2, root, bias):
        We = (jnp.maximum(edge_attr @ w1 + b1, 0.0) @ w2 + b2).reshape(-1, H, H)
        msg = jnp.einsum('ei,eio->eo', jnp.take(h, src, axis=0), We)
        agg = jax.ops.segment_sum(msg, dst, num_segments=N)
        return agg + h @ root + bias

    # dropout layers act as identity in eval mode
    h = _lrelu(x @ nfc_w + nfc_b)
    h = _lrelu(nnconv(h, efc1_w1, efc1_b1, efc1_w2, efc1_b2, gc1_root, gc1_bias))
    atom_embs = _lrelu(nnconv(h, efc2_w1, efc2_b1, efc2_w2, efc2_b2, gc2_root, gc2_bias))
    pooled = jax.ops.segment_sum(atom_embs, batch, num_segments=G)
    normed = pooled / jnp.maximum(
        jnp.sqrt(jnp.sum(pooled * pooled, axis=1, keepdims=True)), 1e-12)
    out = normed @ fc_w + fc_b
    return (out, atom_embs)

if __name__ == "__main__":
    import jax
    _d = setup_inputs()
    print(jax.jit(kernel)(*tuple(_d.values())))

</pallas_src>

<mosaic_0001>
#map = affine_map<(d0, d1) -> (0, 0)>
module attributes {stable_mosaic.version = 14 : i64} {
  func.func @_sc_eapack(%arg0: i32, %arg1: i32, %arg2: memref<160000x16xf32, #tpu.memory_space<hbm>>, %arg3: memref<163840x16xf32, #tpu.memory_space<hbm>>, %arg4: memref<5000x16xf32, #tpu.memory_space<vmem>>) attributes {dimension_semantics = [#tpu.dimension_semantics<core_parallel>, #tpu.dimension_semantics<subcore_parallel>], iteration_bounds = array<i64: 2, 16>, scalar_prefetch = 0 : i64, scratch_operands = 1 : i64, tpu.core_type = #tpu.core_type<sc_vector_subcore>, window_params = [{transform_indices = #map}, {transform_indices = #map}]} {
    %mul3A = arith.constant 2 : i32
    %mul3A_0 = arith.muli %arg1, %mul3A : i32
    %add3A = arith.addi %mul3A_0, %arg0 : i32
    %mul3A_1 = arith.constant 5000 : i32
    %mul3A_2 = arith.muli %add3A, %mul3A_1 : i32
    "tpu.region"() ({
      %run_scoped3A = tpu.sem_alloc : memref<!tpu.dma_semaphore, #tpu.memory_space<semaphore_mem>>
      %dma_start3A = arith.constant 0 : i32
      %dma_start3A_5 = tpu.memref_slice %arg2[%mul3A_2, %dma_start3A] : memref<160000x16xf32, #tpu.memory_space<hbm>> -> memref<5000x16xf32, #tpu.memory_space<hbm>>
      %dma_start3A_6 = arith.constant 0 : i32
      %dma_start3A_7 = tpu.memref_slice %arg2[%mul3A_2, %dma_start3A_6] : memref<160000x16xf32, #tpu.memory_space<hbm>> -> memref<5000x16xf32, #tpu.memory_space<hbm>>
      tpu.enqueue_dma source(%dma_start3A_7 : memref<5000x16xf32, #tpu.memory_space<hbm>>) target(%arg4 : memref<5000x16xf32, #tpu.memory_space<vmem>>) target_semaphore(%run_scoped3A : memref<!tpu.dma_semaphore, #tpu.memory_space<semaphore_mem>>)
      %dma_wait3A = arith.constant 0 : i32
      %dma_wait3A_8 = tpu.memref_slice %arg2[%mul3A_2, %dma_wait3A] : memref<160000x16xf32, #tpu.memory_space<hbm>> -> memref<5000x16xf32, #tpu.memory_space<hbm>>
      %dma_wait3A_9 = arith.constant 0 : i32
      %dma_wait3A_10 = tpu.memref_slice %arg2[%mul3A_2, %dma_wait3A_9] : memref<160000x16xf32, #tpu.memory_space<hbm>> -> memref<5000x16xf32, #tpu.memory_space<hbm>>
      tpu.wait_dma2 semaphore(%run_scoped3A : memref<!tpu.dma_semaphore, #tpu.memory_space<semaphore_mem>>) src(%dma_wait3A_10 : memref<5000x16xf32, #tpu.memory_space<hbm>>) dst(%arg4 : memref<5000x16xf32, #tpu.memory_space<vmem>>)
      tpu.yield
    }) : () -> ()
    %mul3A_3 = arith.constant 5000 : i32
    %mul3A_4 = arith.muli %add3A, %mul3A_3 : i32
    "tpu.region"() ({
      %run_scoped3A = tpu.sem_alloc : memref<!tpu.dma_semaphore, #tpu.memory_space<semaphore_mem>>
      %dma_start3A = arith.constant 0 : i32
      %dma_start3A_5 = tpu.memref_slice %arg3[%mul3A_4, %dma_start3A] : memref<163840x16xf32, #tpu.memory_space<hbm>> -> memref<5000x16xf32, #tpu.memory_space<hbm>>
      %dma_start3A_6 = arith.constant 0 : i32
      %dma_start3A_7 = tpu.memref_slice %arg3[%mul3A_4, %dma_start3A_6] : memref<163840x16xf32, #tpu.memory_space<hbm>> -> memref<5000x16xf32, #tpu.memory_space<hbm>>
      tpu.enqueue_dma source(%arg4 : memref<5000x16xf32, #tpu.memory_space<vmem>>) target(%dma_start3A_7 : memref<5000x16xf32, #tpu.memory_space<hbm>>) target_semaphore(%run_scoped3A : memref<!tpu.dma_semaphore, #tpu.memory_space<semaphore_mem>>)
      %dma_wait3A = arith.constant 0 : i32
      %dma_wait3A_8 = tpu.memref_slice %arg3[%mul3A_4, %dma_wait3A] : memref<163840x16xf32, #tpu.memory_space<hbm>> -> memref<5000x16xf32, #tpu.memory_space<hbm>>
      %dma_wait3A_9 = arith.constant 0 : i32
      %dma_wait3A_10 = tpu.memref_slice %arg3[%mul3A_4, %dma_wait3A_9] : memref<163840x16xf32, #tpu.memory_space<hbm>> -> memref<5000x16xf32, #tpu.memory_space<hbm>>
      tpu.wait_dma2 semaphore(%run_scoped3A : memref<!tpu.dma_semaphore, #tpu.memory_space<semaphore_mem>>) src(%arg4 : memref<5000x16xf32, #tpu.memory_space<vmem>>) dst(%dma_wait3A_10 : memref<5000x16xf32, #tpu.memory_space<hbm>>)
      tpu.yield
    }) : () -> ()
    return
  }
}

#map = affine_map<(d0, d1) -> (0, 0)>
#map1 = affine_map<(d0, d1) -> (0)>
module attributes {stable_mosaic.version = 14 : i64} {
  func.func @_sc_scatter(%arg0: i32, %arg1: i32, %arg2: memref<163840x16xf32, #tpu.memory_space<hbm>>, %arg3: memref<163840xi32, #tpu.memory_space<hbm>>, %arg4: memref<10240x16xf32, #tpu.memory_space<hbm>>, %arg5: memref<10240x16xf32, #tpu.memory_space<hbm>>, %arg6: memref<10240x16xf32, #tpu.memory_space<hbm>>, %arg7: memref<5120xi32, #tpu.memory_space<vmem>>, %arg8: memref<5120x16xf32, #tpu.memory_space<vmem>>, %arg9: memref<640x16xf32, #tpu.memory_space<vmem>>, %arg10: memref<10240x16xf32, #tpu.memory_space<vmem_shared>>, %arg11: memref<!tpu.dma_semaphore, #tpu.memory_space<semaphore_mem>>) attributes {dimension_semantics = [#tpu.dimension_semantics<core_parallel>, #tpu.dimension_semantics<subcore_parallel>], iteration_bounds = array<i64: 2, 16>, scalar_prefetch = 0 : i64, scratch_operands = 5 : i64, tpu.core_type = #tpu.core_type<sc_vector_subcore>, window_params = [{transform_indices = #map}, {transform_indices = #map1}, {transform_indices = #map}, {transform_indices = #map}, {transform_indices = #map}]} {
    %mul3A = arith.constant 2 : i32
    %mul3A_0 = arith.muli %arg1, %mul3A : i32
    %add3A = arith.addi %mul3A_0, %arg0 : i32
    %eq3A = arith.constant 0 : i32
    %eq3A_1 = arith.cmpi eq, %arg0, %eq3A : i32
    %convert_element_type3A = arith.extui %eq3A_1 : i1 to i32
    %cond3A = arith.constant 0 : i32
    %cond3A_2 = arith.cmpi ne, %convert_element_type3A, %cond3A : i32
    scf.if %cond3A_2 {
      %mul3A_27 = arith.constant 640 : i32
      %mul3A_28 = arith.muli %arg1, %mul3A_27 : i32
      %mul3A_29 = arith.constant 640 : i32
      %mul3A_30 = arith.muli %arg1, %mul3A_29 : i32
      "tpu.region"() ({
        %run_scoped3A = tpu.sem_alloc : memref<!tpu.dma_semaphore, #tpu.memory_space<semaphore_mem>>
        %dma_start3A_31 = arith.constant 0 : i32
        %dma_start3A_32 = tpu.memref_slice %arg10[%mul3A_30, %dma_start3A_31] : memref<10240x16xf32, #tpu.memory_space<vmem_shared>> -> memref<640x16xf32, #tpu.memory_space<vmem_shared>>
        %dma_start3A_33 = arith.constant 0 : i32
        %dma_start3A_34 = tpu.memref_slice %arg4[%mul3A_28, %dma_start3A_33] : memref<10240x16xf32, #tpu.memory_space<hbm>> -> memref<640x16xf32, #tpu.memory_space<hbm>>
        tpu.enqueue_dma source(%dma_start3A_34 : memref<640x16xf32, #tpu.memory_space<hbm>>) target(%dma_start3A_32 : memref<640x16xf32, #tpu.memory_space<vmem_shared>>) target_semaphore(%run_scoped3A : memref<!tpu.dma_semaphore, #tpu.memory_space<semaphore_mem>>)
        %dma_wait3A_35 = arith.constant 0 : i32
        %dma_wait3A_36 = tpu.memref_slice %arg10[%mul3A_30, %dma_wait3A_35] : memref<10240x16xf32, #tpu.memory_space<vmem_shared>> -> memref<640x16xf32, #tpu.memory_space<vmem_shared>>
        %dma_wait3A_37 = arith.constant 0 : i32
        %dma_wait3A_38 = tpu.memref_slice %arg4[%mul3A_28, %dma_wait3A_37] : memref<10240x16xf32, #tpu.memory_space<hbm>> -> memref<640x16xf32, #tpu.memory_space<hbm>>
        tpu.wait_dma2 semaphore(%run_scoped3A : memref<!tpu.dma_semaphore, #tpu.memory_space<semaphore_mem>>) src(%dma_wait3A_38 : memref<640x16xf32, #tpu.memory_space<hbm>>) dst(%dma_wait3A_36 : memref<640x16xf32, #tpu.memory_space<vmem_shared>>)
        tpu.yield
      }) : () -> ()
    } else {
    }
    %eq3A_3 = arith.constant 1 : i32
    %eq3A_4 = arith.cmpi eq, %arg0, %eq3A_3 : i32
    %convert_element_type3A_5 = arith.extui %eq3A_4 : i1 to i32
    %cond3A_6 = arith.constant 0 : i32
    %cond3A_7 = arith.cmpi ne, %convert_element_type3A_5, %cond3A_6 : i32
    scf.if %cond3A_7 {
      %scan3A = arith.constant 0 : i32
      %scan3A_27 = arith.constant 0 : i32
      %scan3A_28 = arith.constant 640 : i32
      %scan3A_29 = arith.addi %scan3A_27, %scan3A_28 : i32
      %scan3A_30 = arith.constant 1 : i32
      scf.for %scan3A_34 = %scan3A_27 to %scan3A_29 step %scan3A_30  : i32 {
        %broadcast_in_dim3A = arith.constant 0.000000e+00 : f32
        %broadcast_in_dim3A_35 = vector.broadcast %broadcast_in_dim3A : f32 to vector<16xf32>
        %swap3A = arith.index_cast %scan3A_34 : i32 to index
        %swap3A_36 = arith.constant 0 : index
        %swap3A_37 = tpu.vector_load %arg9[%swap3A, %swap3A_36] {strides = array<i32>} : memref<640x16xf32, #tpu.memory_space<vmem>>, vector<1x16xf32>,
        %swap3A_38 = vector.shape_cast %swap3A_37 : vector<1x16xf32> to vector<16xf32>
        %swap3A_39 = vector.shape_cast %broadcast_in_dim3A_35 : vector<16xf32> to vector<1x16xf32>
        tpu.vector_store %arg9[%swap3A, %swap3A_36], %swap3A_39 {strides = array<i32>} : memref<640x16xf32, #tpu.memory_space<vmem>>, vector<1x16xf32>,
      }
      %scan3A_31 = arith.constant 640 : i32
      %mul3A_32 = arith.constant 640 : i32
      %mul3A_33 = arith.muli %arg1, %mul3A_32 : i32
      "tpu.region"() ({
        %run_scoped3A = tpu.sem_alloc : memref<!tpu.dma_semaphore, #tpu.memory_space<semaphore_mem>>
        %dma_start3A_34 = arith.constant 0 : i32
        %dma_start3A_35 = tpu.memref_slice %arg10[%mul3A_33, %dma_start3A_34] : memref<10240x16xf32, #tpu.memory_space<vmem_shared>> -> memref<640x16xf32, #tpu.memory_space<vmem_shared>>
        %dma_start3A_36 = arith.constant 0 : i32
        %dma_start3A_37 = tpu.memref_slice %arg10[%mul3A_33, %dma_start3A_36] : memref<10240x16xf32, #tpu.memory_space<vmem_shared>> -> memref<640x16xf32, #tpu.memory_space<vmem_shared>>
        tpu.enqueue_dma source(%arg9 : memref<640x16xf32, #tpu.memory_space<vmem>>) target(%dma_start3A_37 : memref<640x16xf32, #tpu.memory_space<vmem_shared>>) target_semaphore(%run_scoped3A : memref<!tpu.dma_semaphore, #tpu.memory_space<semaphore_mem>>)
        %dma_wait3A_38 = arith.constant 0 : i32
        %dma_wait3A_39 = tpu.memref_slice %arg10[%mul3A_33, %dma_wait3A_38] : memref<10240x16xf32, #tpu.memory_space<vmem_shared>> -> memref<640x16xf32, #tpu.memory_space<vmem_shared>>
        %dma_wait3A_40 = arith.constant 0 : i32
        %dma_wait3A_41 = tpu.memref_slice %arg10[%mul3A_33, %dma_wait3A_40] : memref<10240x16xf32, #tpu.memory_space<vmem_shared>> -> memref<640x16xf32, #tpu.memory_space<vmem_shared>>
        tpu.wait_dma2 semaphore(%run_scoped3A : memref<!tpu.dma_semaphore, #tpu.memory_space<semaphore_mem>>) src(%arg9 : memref<640x16xf32, #tpu.memory_space<vmem>>) dst(%dma_wait3A_41 : memref<640x16xf32, #tpu.memory_space<vmem_shared>>)
        tpu.yield
      }) : () -> ()
    } else {
    }
    %barrier3A = arith.constant 0 : index
    tpu.barrier barrier_id(%barrier3A)
    %mul3A_8 = arith.constant 5120 : i32
    %mul3A_9 = arith.muli %add3A, %mul3A_8 : i32
    "tpu.region"() ({
      %run_scoped3A = tpu.sem_alloc : memref<!tpu.dma_semaphore, #tpu.memory_space<semaphore_mem>>
      %dma_start3A_27 = tpu.memref_slice %arg3[%mul3A_9] : memref<163840xi32, #tpu.memory_space<hbm>> -> memref<5120xi32, #tpu.memory_space<hbm>>
      %dma_start3A_28 = tpu.memref_slice %arg3[%mul3A_9] : memref<163840xi32, #tpu.memory_space<hbm>> -> memref<5120xi32, #tpu.memory_space<hbm>>
      tpu.enqueue_dma source(%dma_start3A_28 : memref<5120xi32, #tpu.memory_space<hbm>>) target(%arg7 : memref<5120xi32, #tpu.memory_space<vmem>>) target_semaphore(%run_scoped3A : memref<!tpu.dma_semaphore, #tpu.memory_space<semaphore_mem>>)
      %dma_wait3A_29 = tpu.memref_slice %arg3[%mul3A_9] : memref<163840xi32, #tpu.memory_space<hbm>> -> memref<5120xi32, #tpu.memory_space<hbm>>
      %dma_wait3A_30 = tpu.memref_slice %arg3[%mul3A_9] : memref<163840xi32, #tpu.memory_space<hbm>> -> memref<5120xi32, #tpu.memory_space<hbm>>
      tpu.wait_dma2 semaphore(%run_scoped3A : memref<!tpu.dma_semaphore, #tpu.memory_space<semaphore_mem>>) src(%dma_wait3A_30 : memref<5120xi32, #tpu.memory_space<hbm>>) dst(%arg7 : memref<5120xi32, #tpu.memory_space<vmem>>)
      tpu.yield
    }) : () -> ()
    %mul3A_10 = arith.constant 5120 : i32
    %mul3A_11 = arith.muli %add3A, %mul3A_10 : i32
    "tpu.region"() ({
      %run_scoped3A = tpu.sem_alloc : memref<!tpu.dma_semaphore, #tpu.memory_space<semaphore_mem>>
      %dma_start3A_27 = arith.constant 0 : i32
      %dma_start3A_28 = tpu.memref_slice %arg2[%mul3A_11, %dma_start3A_27] : memref<163840x16xf32, #tpu.memory_space<hbm>> -> memref<5120x16xf32, #tpu.memory_space<hbm>>
      %dma_start3A_29 = arith.constant 0 : i32
      %dma_start3A_30 = tpu.memref_slice %arg2[%mul3A_11, %dma_start3A_29] : memref<163840x16xf32, #tpu.memory_space<hbm>> -> memref<5120x16xf32, #tpu.memory_space<hbm>>
      tpu.enqueue_dma source(%dma_start3A_30 : memref<5120x16xf32, #tpu.memory_space<hbm>>) target(%arg8 : memref<5120x16xf32, #tpu.memory_space<vmem>>) target_semaphore(%run_scoped3A : memref<!tpu.dma_semaphore, #tpu.memory_space<semaphore_mem>>)
      %dma_wait3A_31 = arith.constant 0 : i32
      %dma_wait3A_32 = tpu.memref_slice %arg2[%mul3A_11, %dma_wait3A_31] : memref<163840x16xf32, #tpu.memory_space<hbm>> -> memref<5120x16xf32, #tpu.memory_space<hbm>>
      %dma_wait3A_33 = arith.constant 0 : i32
      %dma_wait3A_34 = tpu.memref_slice %arg2[%mul3A_11, %dma_wait3A_33] : memref<163840x16xf32, #tpu.memory_space<hbm>> -> memref<5120x16xf32, #tpu.memory_space<hbm>>
      tpu.wait_dma2 semaphore(%run_scoped3A : memref<!tpu.dma_semaphore, #tpu.memory_space<semaphore_mem>>) src(%dma_wait3A_34 : memref<5120x16xf32, #tpu.memory_space<hbm>>) dst(%arg8 : memref<5120x16xf32, #tpu.memory_space<vmem>>)
      tpu.yield
    }) : () -> ()
    %dma_start3A = arith.constant 0 : i32
    %dma_start3A_12 = arith.constant 0 : i32
    %dma_start3A_13 = tpu.memref_slice %arg10[%dma_start3A, %dma_start3A_12] : memref<10240x16xf32, #tpu.memory_space<vmem_shared>> -> memref<10240x16xf32, #tpu.memory_space<vmem_shared>>
    tpu.enqueue_indirect_dma source(%arg8 : memref<5120x16xf32, #tpu.memory_space<vmem>>) target(%dma_start3A_13 : memref<10240x16xf32, #tpu.memory_space<vmem_shared>>) offsets(%arg7 : memref<5120xi32, #tpu.memory_space<vmem>>) semaphore(%arg11 : memref<!tpu.dma_semaphore, #tpu.memory_space<semaphore_mem>>) {add = true}
    %dma_wait3A = arith.constant 0 : i32
    %dma_wait3A_14 = arith.constant 0 : i32
    %dma_wait3A_15 = tpu.memref_slice %arg10[%dma_wait3A, %dma_wait3A_14] : memref<10240x16xf32, #tpu.memory_space<vmem_shared>> -> memref<10240x16xf32, #tpu.memory_space<vmem_shared>>
    tpu.wait_indirect_dma semaphore(%arg11 : memref<!tpu.dma_semaphore, #tpu.memory_space<semaphore_mem>>) src(%arg8 : memref<5120x16xf32, #tpu.memory_space<vmem>>) dst(%dma_wait3A_15 : memref<10240x16xf32, #tpu.memory_space<vmem_shared>>)
    %barrier3A_16 = arith.constant 0 : index
    tpu.barrier barrier_id(%barrier3A_16)
    %eq3A_17 = arith.constant 0 : i32
    %eq3A_18 = arith.cmpi eq, %arg0, %eq3A_17 : i32
    %convert_element_type3A_19 = arith.extui %eq3A_18 : i1 to i32
    %cond3A_20 = arith.constant 0 : i32
    %cond3A_21 = arith.cmpi ne, %convert_element_type3A_19, %cond3A_20 : i32
    scf.if %cond3A_21 {
      %mul3A_27 = arith.constant 640 : i32
      %mul3A_28 = arith.muli %arg1, %mul3A_27 : i32
      %mul3A_29 = arith.constant 640 : i32
      %mul3A_30 = arith.muli %arg1, %mul3A_29 : i32
      "tpu.region"() ({
        %run_scoped3A = tpu.sem_alloc : memref<!tpu.dma_semaphore, #tpu.memory_space<semaphore_mem>>
        %dma_start3A_31 = arith.constant 0 : i32
        %dma_start3A_32 = tpu.memref_slice %arg5[%mul3A_30, %dma_start3A_31] : memref<10240x16xf32, #tpu.memory_space<hbm>> -> memref<640x16xf32, #tpu.memory_space<hbm>>
        %dma_start3A_33 = arith.constant 0 : i32
        %dma_start3A_34 = tpu.memref_slice %arg10[%mul3A_28, %dma_start3A_33] : memref<10240x16xf32, #tpu.memory_space<vmem_shared>> -> memref<640x16xf32, #tpu.memory_space<vmem_shared>>
        tpu.enqueue_dma source(%dma_start3A_34 : memref<640x16xf32, #tpu.memory_space<vmem_shared>>) target(%dma_start3A_32 : memref<640x16xf32, #tpu.memory_space<hbm>>) target_semaphore(%run_scoped3A : memref<!tpu.dma_semaphore, #tpu.memory_space<semaphore_mem>>)
        %dma_wait3A_35 = arith.constant 0 : i32
        %dma_wait3A_36 = tpu.memref_slice %arg5[%mul3A_30, %dma_wait3A_35] : memref<10240x16xf32, #tpu.memory_space<hbm>> -> memref<640x16xf32, #tpu.memory_space<hbm>>
        %dma_wait3A_37 = arith.constant 0 : i32
        %dma_wait3A_38 = tpu.memref_slice %arg10[%mul3A_28, %dma_wait3A_37] : memref<10240x16xf32, #tpu.memory_space<vmem_shared>> -> memref<640x16xf32, #tpu.memory_space<vmem_shared>>
        tpu.wait_dma2 semaphore(%run_scoped3A : memref<!tpu.dma_semaphore, #tpu.memory_space<semaphore_mem>>) src(%dma_wait3A_38 : memref<640x16xf32, #tpu.memory_space<vmem_shared>>) dst(%dma_wait3A_36 : memref<640x16xf32, #tpu.memory_space<hbm>>)
        tpu.yield
      }) : () -> ()
    } else {
    }
    %eq3A_22 = arith.constant 1 : i32
    %eq3A_23 = arith.cmpi eq, %arg0, %eq3A_22 : i32
    %convert_element_type3A_24 = arith.extui %eq3A_23 : i1 to i32
    %cond3A_25 = arith.constant 0 : i32
    %cond3A_26 = arith.cmpi ne, %convert_element_type3A_24, %cond3A_25 : i32
    scf.if %cond3A_26 {
      %mul3A_27 = arith.constant 640 : i32
      %mul3A_28 = arith.muli %arg1, %mul3A_27 : i32
      %mul3A_29 = arith.constant 640 : i32
      %mul3A_30 = arith.muli %arg1, %mul3A_29 : i32
      "tpu.region"() ({
        %run_scoped3A = tpu.sem_alloc : memref<!tpu.dma_semaphore, #tpu.memory_space<semaphore_mem>>
        %dma_start3A_31 = arith.constant 0 : i32
        %dma_start3A_32 = tpu.memref_slice %arg6[%mul3A_30, %dma_start3A_31] : memref<10240x16xf32, #tpu.memory_space<hbm>> -> memref<640x16xf32, #tpu.memory_space<hbm>>
        %dma_start3A_33 = arith.constant 0 : i32
        %dma_start3A_34 = tpu.memref_slice %arg10[%mul3A_28, %dma_start3A_33] : memref<10240x16xf32, #tpu.memory_space<vmem_shared>> -> memref<640x16xf32, #tpu.memory_space<vmem_shared>>
        tpu.enqueue_dma source(%dma_start3A_34 : memref<640x16xf32, #tpu.memory_space<vmem_shared>>) target(%dma_start3A_32 : memref<640x16xf32, #tpu.memory_space<hbm>>) target_semaphore(%run_scoped3A : memref<!tpu.dma_semaphore, #tpu.memory_space<semaphore_mem>>)
        %dma_wait3A_35 = arith.constant 0 : i32
        %dma_wait3A_36 = tpu.memref_slice %arg6[%mul3A_30, %dma_wait3A_35] : memref<10240x16xf32, #tpu.memory_space<hbm>> -> memref<640x16xf32, #tpu.memory_space<hbm>>
        %dma_wait3A_37 = arith.constant 0 : i32
        %dma_wait3A_38 = tpu.memref_slice %arg10[%mul3A_28, %dma_wait3A_37] : memref<10240x16xf32, #tpu.memory_space<vmem_shared>> -> memref<640x16xf32, #tpu.memory_space<vmem_shared>>
        tpu.wait_dma2 semaphore(%run_scoped3A : memref<!tpu.dma_semaphore, #tpu.memory_space<semaphore_mem>>) src(%dma_wait3A_38 : memref<640x16xf32, #tpu.memory_space<vmem_shared>>) dst(%dma_wait3A_36 : memref<640x16xf32, #tpu.memory_space<hbm>>)
        tpu.yield
      }) : () -> ()
    } else {
    }
    return
  }
}

#map = affine_map<(d0, d1) -> (0, 0)>
#map1 = affine_map<(d0, d1) -> (0)>
module attributes {stable_mosaic.version = 14 : i64} {
  func.func @_sc_gather(%arg0: i32, %arg1: i32, %arg2: memref<10000x16xf32, #tpu.memory_space<hbm>>, %arg3: memref<163840xi32, #tpu.memory_space<hbm>>, %arg4: memref<163840x16xf32, #tpu.memory_space<hbm>>, %arg5: memref<5120xi32, #tpu.memory_space<vmem>>, %arg6: memref<5120x16xf32, #tpu.memory_space<vmem>>, %arg7: memref<10000x16xf32, #tpu.memory_space<vmem_shared>>, %arg8: memref<!tpu.dma_semaphore, #tpu.memory_space<semaphore_mem>>) attributes {dimension_semantics = [#tpu.dimension_semantics<core_parallel>, #tpu.dimension_semantics<subcore_parallel>], iteration_bounds = array<i64: 2, 16>, scalar_prefetch = 0 : i64, scratch_operands = 4 : i64, tpu.core_type = #tpu.core_type<sc_vector_subcore>, window_params = [{transform_indices = #map}, {transform_indices = #map1}, {transform_indices = #map}]} {
    %mul3A = arith.constant 2 : i32
    %mul3A_0 = arith.muli %arg1, %mul3A : i32
    %add3A = arith.addi %mul3A_0, %arg0 : i32
    %mul3A_1 = arith.constant 625 : i32
    %mul3A_2 = arith.muli %arg1, %mul3A_1 : i32
    %mul3A_3 = arith.constant 625 : i32
    %mul3A_4 = arith.muli %arg1, %mul3A_3 : i32
    "tpu.region"() ({
      %run_scoped3A = tpu.sem_alloc : memref<!tpu.dma_semaphore, #tpu.memory_space<semaphore_mem>>
      %dma_start3A_13 = arith.constant 0 : i32
      %dma_start3A_14 = tpu.memref_slice %arg7[%mul3A_4, %dma_start3A_13] : memref<10000x16xf32, #tpu.memory_space<vmem_shared>> -> memref<625x16xf32, #tpu.memory_space<vmem_shared>>
      %dma_start3A_15 = arith.constant 0 : i32
      %dma_start3A_16 = tpu.memref_slice %arg2[%mul3A_2, %dma_start3A_15] : memref<10000x16xf32, #tpu.memory_space<hbm>> -> memref<625x16xf32, #tpu.memory_space<hbm>>
      tpu.enqueue_dma source(%dma_start3A_16 : memref<625x16xf32, #tpu.memory_space<hbm>>) target(%dma_start3A_14 : memref<625x16xf32, #tpu.memory_space<vmem_shared>>) target_semaphore(%run_scoped3A : memref<!tpu.dma_semaphore, #tpu.memory_space<semaphore_mem>>)
      %dma_wait3A_17 = arith.constant 0 : i32
      %dma_wait3A_18 = tpu.memref_slice %arg7[%mul3A_4, %dma_wait3A_17] : memref<10000x16xf32, #tpu.memory_space<vmem_shared>> -> memref<625x16xf32, #tpu.memory_space<vmem_shared>>
      %dma_wait3A_19 = arith.constant 0 : i32
      %dma_wait3A_20 = tpu.memref_slice %arg2[%mul3A_2, %dma_wait3A_19] : memref<10000x16xf32, #tpu.memory_space<hbm>> -> memref<625x16xf32, #tpu.memory_space<hbm>>
      tpu.wait_dma2 semaphore(%run_scoped3A : memref<!tpu.dma_semaphore, #tpu.memory_space<semaphore_mem>>) src(%dma_wait3A_20 : memref<625x16xf32, #tpu.memory_space<hbm>>) dst(%dma_wait3A_18 : memref<625x16xf32, #tpu.memory_space<vmem_shared>>)
      tpu.yield
    }) : () -> ()
    %mul3A_5 = arith.constant 5120 : i32
    %mul3A_6 = arith.muli %add3A, %mul3A_5 : i32
    "tpu.region"() ({
      %run_scoped3A = tpu.sem_alloc : memref<!tpu.dma_semaphore, #tpu.memory_space<semaphore_mem>>
      %dma_start3A_13 = tpu.memref_slice %arg3[%mul3A_6] : memref<163840xi32, #tpu.memory_space<hbm>> -> memref<5120xi32, #tpu.memory_space<hbm>>
      %dma_start3A_14 = tpu.memref_slice %arg3[%mul3A_6] : memref<163840xi32, #tpu.memory_space<hbm>> -> memref<5120xi32, #tpu.memory_space<hbm>>
      tpu.enqueue_dma source(%dma_start3A_14 : memref<5120xi32, #tpu.memory_space<hbm>>) target(%arg5 : memref<5120xi32, #tpu.memory_space<vmem>>) target_semaphore(%run_scoped3A : memref<!tpu.dma_semaphore, #tpu.memory_space<semaphore_mem>>)
      %dma_wait3A_15 = tpu.memref_slice %arg3[%mul3A_6] : memref<163840xi32, #tpu.memory_space<hbm>> -> memref<5120xi32, #tpu.memory_space<hbm>>
      %dma_wait3A_16 = tpu.memref_slice %arg3[%mul3A_6] : memref<163840xi32, #tpu.memory_space<hbm>> -> memref<5120xi32, #tpu.memory_space<hbm>>
      tpu.wait_dma2 semaphore(%run_scoped3A : memref<!tpu.dma_semaphore, #tpu.memory_space<semaphore_mem>>) src(%dma_wait3A_16 : memref<5120xi32, #tpu.memory_space<hbm>>) dst(%arg5 : memref<5120xi32, #tpu.memory_space<vmem>>)
      tpu.yield
    }) : () -> ()
    %barrier3A = arith.constant 0 : index
    tpu.barrier barrier_id(%barrier3A)
    %dma_start3A = arith.constant 0 : i32
    %dma_start3A_7 = arith.constant 0 : i32
    %dma_start3A_8 = tpu.memref_slice %arg7[%dma_start3A, %dma_start3A_7] : memref<10000x16xf32, #tpu.memory_space<vmem_shared>> -> memref<10000x16xf32, #tpu.memory_space<vmem_shared>>
    tpu.enqueue_indirect_dma source(%dma_start3A_8 : memref<10000x16xf32, #tpu.memory_space<vmem_shared>>) target(%arg6 : memref<5120x16xf32, #tpu.memory_space<vmem>>) offsets(%arg5 : memref<5120xi32, #tpu.memory_space<vmem>>) semaphore(%arg8 : memref<!tpu.dma_semaphore, #tpu.memory_space<semaphore_mem>>)
    %dma_wait3A = arith.constant 0 : i32
    %dma_wait3A_9 = arith.constant 0 : i32
    %dma_wait3A_10 = tpu.memref_slice %arg7[%dma_wait3A, %dma_wait3A_9] : memref<10000x16xf32, #tpu.memory_space<vmem_shared>> -> memref<10000x16xf32, #tpu.memory_space<vmem_shared>>
    tpu.wait_indirect_dma semaphore(%arg8 : memref<!tpu.dma_semaphore, #tpu.memory_space<semaphore_mem>>) src(%dma_wait3A_10 : memref<10000x16xf32, #tpu.memory_space<vmem_shared>>) dst(%arg6 : memref<5120x16xf32, #tpu.memory_space<vmem>>)
    %mul3A_11 = arith.constant 5120 : i32
    %mul3A_12 = arith.muli %add3A, %mul3A_11 : i32
    "tpu.region"() ({
      %run_scoped3A = tpu.sem_alloc : memref<!tpu.dma_semaphore, #tpu.memory_space<semaphore_mem>>
      %dma_start3A_13 = arith.constant 0 : i32
      %dma_start3A_14 = tpu.memref_slice %arg4[%mul3A_12, %dma_start3A_13] : memref<163840x16xf32, #tpu.memory_space<hbm>> -> memref<5120x16xf32, #tpu.memory_space<hbm>>
      %dma_start3A_15 = arith.constant 0 : i32
      %dma_start3A_16 = tpu.memref_slice %arg4[%mul3A_12, %dma_start3A_15] : memref<163840x16xf32, #tpu.memory_space<hbm>> -> memref<5120x16xf32, #tpu.memory_space<hbm>>
      tpu.enqueue_dma source(%arg6 : memref<5120x16xf32, #tpu.memory_space<vmem>>) target(%dma_start3A_16 : memref<5120x16xf32, #tpu.memory_space<hbm>>) target_semaphore(%run_scoped3A : memref<!tpu.dma_semaphore, #tpu.memory_space<semaphore_mem>>)
      %dma_wait3A_17 = arith.constant 0 : i32
      %dma_wait3A_18 = tpu.memref_slice %arg4[%mul3A_12, %dma_wait3A_17] : memref<163840x16xf32, #tpu.memory_space<hbm>> -> memref<5120x16xf32, #tpu.memory_space<hbm>>
      %dma_wait3A_19 = arith.constant 0 : i32
      %dma_wait3A_20 = tpu.memref_slice %arg4[%mul3A_12, %dma_wait3A_19] : memref<163840x16xf32, #tpu.memory_space<hbm>> -> memref<5120x16xf32, #tpu.memory_space<hbm>>
      tpu.wait_dma2 semaphore(%run_scoped3A : memref<!tpu.dma_semaphore, #tpu.memory_space<semaphore_mem>>) src(%arg6 : memref<5120x16xf32, #tpu.memory_space<vmem>>) dst(%dma_wait3A_20 : memref<5120x16xf32, #tpu.memory_space<hbm>>)
      tpu.yield
    }) : () -> ()
    return
  }
}

#map = affine_map<(d0, d1) -> (0, 0)>
#map1 = affine_map<(d0, d1) -> (0)>
module attributes {stable_mosaic.version = 14 : i64} {
  func.func @_sc_gather(%arg0: i32, %arg1: i32, %arg2: memref<10240x16xf32, #tpu.memory_space<hbm>>, %arg3: memref<163840xi32, #tpu.memory_space<hbm>>, %arg4: memref<163840x16xf32, #tpu.memory_space<hbm>>, %arg5: memref<5120xi32, #tpu.memory_space<vmem>>, %arg6: memref<5120x16xf32, #tpu.memory_space<vmem>>, %arg7: memref<10000x16xf32, #tpu.memory_space<vmem_shared>>, %arg8: memref<!tpu.dma_semaphore, #tpu.memory_space<semaphore_mem>>) attributes {dimension_semantics = [#tpu.dimension_semantics<core_parallel>, #tpu.dimension_semantics<subcore_parallel>], iteration_bounds = array<i64: 2, 16>, scalar_prefetch = 0 : i64, scratch_operands = 4 : i64, tpu.core_type = #tpu.core_type<sc_vector_subcore>, window_params = [{transform_indices = #map}, {transform_indices = #map1}, {transform_indices = #map}]} {
    %mul3A = arith.constant 2 : i32
    %mul3A_0 = arith.muli %arg1, %mul3A : i32
    %add3A = arith.addi %mul3A_0, %arg0 : i32
    %mul3A_1 = arith.constant 625 : i32
    %mul3A_2 = arith.muli %arg1, %mul3A_1 : i32
    %mul3A_3 = arith.constant 625 : i32
    %mul3A_4 = arith.muli %arg1, %mul3A_3 : i32
    "tpu.region"() ({
      %run_scoped3A = tpu.sem_alloc : memref<!tpu.dma_semaphore, #tpu.memory_space<semaphore_mem>>
      %dma_start3A_13 = arith.constant 0 : i32
      %dma_start3A_14 = tpu.memref_slice %arg7[%mul3A_4, %dma_start3A_13] : memref<10000x16xf32, #tpu.memory_space<vmem_shared>> -> memref<625x16xf32, #tpu.memory_space<vmem_shared>>
      %dma_start3A_15 = arith.constant 0 : i32
      %dma_start3A_16 = tpu.memref_slice %arg2[%mul3A_2, %dma_start3A_15] : memref<10240x16xf32, #tpu.memory_space<hbm>> -> memref<625x16xf32, #tpu.memory_space<hbm>>
      tpu.enqueue_dma source(%dma_start3A_16 : memref<625x16xf32, #tpu.memory_space<hbm>>) target(%dma_start3A_14 : memref<625x16xf32, #tpu.memory_space<vmem_shared>>) target_semaphore(%run_scoped3A : memref<!tpu.dma_semaphore, #tpu.memory_space<semaphore_mem>>)
      %dma_wait3A_17 = arith.constant 0 : i32
      %dma_wait3A_18 = tpu.memref_slice %arg7[%mul3A_4, %dma_wait3A_17] : memref<10000x16xf32, #tpu.memory_space<vmem_shared>> -> memref<625x16xf32, #tpu.memory_space<vmem_shared>>
      %dma_wait3A_19 = arith.constant 0 : i32
      %dma_wait3A_20 = tpu.memref_slice %arg2[%mul3A_2, %dma_wait3A_19] : memref<10240x16xf32, #tpu.memory_space<hbm>> -> memref<625x16xf32, #tpu.memory_space<hbm>>
      tpu.wait_dma2 semaphore(%run_scoped3A : memref<!tpu.dma_semaphore, #tpu.memory_space<semaphore_mem>>) src(%dma_wait3A_20 : memref<625x16xf32, #tpu.memory_space<hbm>>) dst(%dma_wait3A_18 : memref<625x16xf32, #tpu.memory_space<vmem_shared>>)
      tpu.yield
    }) : () -> ()
    %mul3A_5 = arith.constant 5120 : i32
    %mul3A_6 = arith.muli %add3A, %mul3A_5 : i32
    "tpu.region"() ({
      %run_scoped3A = tpu.sem_alloc : memref<!tpu.dma_semaphore, #tpu.memory_space<semaphore_mem>>
      %dma_start3A_13 = tpu.memref_slice %arg3[%mul3A_6] : memref<163840xi32, #tpu.memory_space<hbm>> -> memref<5120xi32, #tpu.memory_space<hbm>>
      %dma_start3A_14 = tpu.memref_slice %arg3[%mul3A_6] : memref<163840xi32, #tpu.memory_space<hbm>> -> memref<5120xi32, #tpu.memory_space<hbm>>
      tpu.enqueue_dma source(%dma_start3A_14 : memref<5120xi32, #tpu.memory_space<hbm>>) target(%arg5 : memref<5120xi32, #tpu.memory_space<vmem>>) target_semaphore(%run_scoped3A : memref<!tpu.dma_semaphore, #tpu.memory_space<semaphore_mem>>)
      %dma_wait3A_15 = tpu.memref_slice %arg3[%mul3A_6] : memref<163840xi32, #tpu.memory_space<hbm>> -> memref<5120xi32, #tpu.memory_space<hbm>>
      %dma_wait3A_16 = tpu.memref_slice %arg3[%mul3A_6] : memref<163840xi32, #tpu.memory_space<hbm>> -> memref<5120xi32, #tpu.memory_space<hbm>>
      tpu.wait_dma2 semaphore(%run_scoped3A : memref<!tpu.dma_semaphore, #tpu.memory_space<semaphore_mem>>) src(%dma_wait3A_16 : memref<5120xi32, #tpu.memory_space<hbm>>) dst(%arg5 : memref<5120xi32, #tpu.memory_space<vmem>>)
      tpu.yield
    }) : () -> ()
    %barrier3A = arith.constant 0 : index
    tpu.barrier barrier_id(%barrier3A)
    %dma_start3A = arith.constant 0 : i32
    %dma_start3A_7 = arith.constant 0 : i32
    %dma_start3A_8 = tpu.memref_slice %arg7[%dma_start3A, %dma_start3A_7] : memref<10000x16xf32, #tpu.memory_space<vmem_shared>> -> memref<10000x16xf32, #tpu.memory_space<vmem_shared>>
    tpu.enqueue_indirect_dma source(%dma_start3A_8 : memref<10000x16xf32, #tpu.memory_space<vmem_shared>>) target(%arg6 : memref<5120x16xf32, #tpu.memory_space<vmem>>) offsets(%arg5 : memref<5120xi32, #tpu.memory_space<vmem>>) semaphore(%arg8 : memref<!tpu.dma_semaphore, #tpu.memory_space<semaphore_mem>>)
    %dma_wait3A = arith.constant 0 : i32
    %dma_wait3A_9 = arith.constant 0 : i32
    %dma_wait3A_10 = tpu.memref_slice %arg7[%dma_wait3A, %dma_wait3A_9] : memref<10000x16xf32, #tpu.memory_space<vmem_shared>> -> memref<10000x16xf32, #tpu.memory_space<vmem_shared>>
    tpu.wait_indirect_dma semaphore(%arg8 : memref<!tpu.dma_semaphore, #tpu.memory_space<semaphore_mem>>) src(%dma_wait3A_10 : memref<10000x16xf32, #tpu.memory_space<vmem_shared>>) dst(%arg6 : memref<5120x16xf32, #tpu.memory_space<vmem>>)
    %mul3A_11 = arith.constant 5120 : i32
    %mul3A_12 = arith.muli %add3A, %mul3A_11 : i32
    "tpu.region"() ({
      %run_scoped3A = tpu.sem_alloc : memref<!tpu.dma_semaphore, #tpu.memory_space<semaphore_mem>>
      %dma_start3A_13 = arith.constant 0 : i32
      %dma_start3A_14 = tpu.memref_slice %arg4[%mul3A_12, %dma_start3A_13] : memref<163840x16xf32, #tpu.memory_space<hbm>> -> memref<5120x16xf32, #tpu.memory_space<hbm>>
      %dma_start3A_15 = arith.constant 0 : i32
      %dma_start3A_16 = tpu.memref_slice %arg4[%mul3A_12, %dma_start3A_15] : memref<163840x16xf32, #tpu.memory_space<hbm>> -> memref<5120x16xf32, #tpu.memory_space<hbm>>
      tpu.enqueue_dma source(%arg6 : memref<5120x16xf32, #tpu.memory_space<vmem>>) target(%dma_start3A_16 : memref<5120x16xf32, #tpu.memory_space<hbm>>) target_semaphore(%run_scoped3A : memref<!tpu.dma_semaphore, #tpu.memory_space<semaphore_mem>>)
      %dma_wait3A_17 = arith.constant 0 : i32
      %dma_wait3A_18 = tpu.memref_slice %arg4[%mul3A_12, %dma_wait3A_17] : memref<163840x16xf32, #tpu.memory_space<hbm>> -> memref<5120x16xf32, #tpu.memory_space<hbm>>
      %dma_wait3A_19 = arith.constant 0 : i32
      %dma_wait3A_20 = tpu.memref_slice %arg4[%mul3A_12, %dma_wait3A_19] : memref<163840x16xf32, #tpu.memory_space<hbm>> -> memref<5120x16xf32, #tpu.memory_space<hbm>>
      tpu.wait_dma2 semaphore(%run_scoped3A : memref<!tpu.dma_semaphore, #tpu.memory_space<semaphore_mem>>) src(%arg6 : memref<5120x16xf32, #tpu.memory_space<vmem>>) dst(%dma_wait3A_20 : memref<5120x16xf32, #tpu.memory_space<hbm>>)
      tpu.yield
    }) : () -> ()
    return
  }
}

#map = affine_map<(d0, d1) -> (0, 0)>
#map1 = affine_map<(d0, d1) -> (0)>
module attributes {stable_mosaic.version = 14 : i64} {
  func.func @_sc_scatter(%arg0: i32, %arg1: i32, %arg2: memref<163840x16xf32, #tpu.memory_space<hbm>>, %arg3: memref<163840xi32, #tpu.memory_space<hbm>>, %arg4: memref<10240x16xf32, #tpu.memory_space<hbm>>, %arg5: memref<10240x16xf32, #tpu.memory_space<hbm>>, %arg6: memref<10240x16xf32, #tpu.memory_space<hbm>>, %arg7: memref<5120xi32, #tpu.memory_space<vmem>>, %arg8: memref<5120x16xf32, #tpu.memory_space<vmem>>, %arg9: memref<640x16xf32, #tpu.memory_space<vmem>>, %arg10: memref<10240x16xf32, #tpu.memory_space<vmem_shared>>, %arg11: memref<!tpu.dma_semaphore, #tpu.memory_space<semaphore_mem>>) attributes {dimension_semantics = [#tpu.dimension_semantics<core_parallel>, #tpu.dimension_semantics<subcore_parallel>], iteration_bounds = array<i64: 2, 16>, scalar_prefetch = 0 : i64, scratch_operands = 5 : i64, tpu.core_type = #tpu.core_type<sc_vector_subcore>, window_params = [{transform_indices = #map}, {transform_indices = #map1}, {transform_indices = #map}, {transform_indices = #map}, {transform_indices = #map}]} {
    %mul3A = arith.constant 2 : i32
    %mul3A_0 = arith.muli %arg1, %mul3A : i32
    %add3A = arith.addi %mul3A_0, %arg0 : i32
    %eq3A = arith.constant 0 : i32
    %eq3A_1 = arith.cmpi eq, %arg0, %eq3A : i32
    %convert_element_type3A = arith.extui %eq3A_1 : i1 to i32
    %cond3A = arith.constant 0 : i32
    %cond3A_2 = arith.cmpi ne, %convert_element_type3A, %cond3A : i32
    scf.if %cond3A_2 {
      %mul3A_27 = arith.constant 640 : i32
      %mul3A_28 = arith.muli %arg1, %mul3A_27 : i32
      %mul3A_29 = arith.constant 640 : i32
      %mul3A_30 = arith.muli %arg1, %mul3A_29 : i32
      "tpu.region"() ({
        %run_scoped3A = tpu.sem_alloc : memref<!tpu.dma_semaphore, #tpu.memory_space<semaphore_mem>>
        %dma_start3A_31 = arith.constant 0 : i32
        %dma_start3A_32 = tpu.memref_slice %arg10[%mul3A_30, %dma_start3A_31] : memref<10240x16xf32, #tpu.memory_space<vmem_shared>> -> memref<640x16xf32, #tpu.memory_space<vmem_shared>>
        %dma_start3A_33 = arith.constant 0 : i32
        %dma_start3A_34 = tpu.memref_slice %arg4[%mul3A_28, %dma_start3A_33] : memref<10240x16xf32, #tpu.memory_space<hbm>> -> memref<640x16xf32, #tpu.memory_space<hbm>>
        tpu.enqueue_dma source(%dma_start3A_34 : memref<640x16xf32, #tpu.memory_space<hbm>>) target(%dma_start3A_32 : memref<640x16xf32, #tpu.memory_space<vmem_shared>>) target_semaphore(%run_scoped3A : memref<!tpu.dma_semaphore, #tpu.memory_space<semaphore_mem>>)
        %dma_wait3A_35 = arith.constant 0 : i32
        %dma_wait3A_36 = tpu.memref_slice %arg10[%mul3A_30, %dma_wait3A_35] : memref<10240x16xf32, #tpu.memory_space<vmem_shared>> -> memref<640x16xf32, #tpu.memory_space<vmem_shared>>
        %dma_wait3A_37 = arith.constant 0 : i32
        %dma_wait3A_38 = tpu.memref_slice %arg4[%mul3A_28, %dma_wait3A_37] : memref<10240x16xf32, #tpu.memory_space<hbm>> -> memref<640x16xf32, #tpu.memory_space<hbm>>
        tpu.wait_dma2 semaphore(%run_scoped3A : memref<!tpu.dma_semaphore, #tpu.memory_space<semaphore_mem>>) src(%dma_wait3A_38 : memref<640x16xf32, #tpu.memory_space<hbm>>) dst(%dma_wait3A_36 : memref<640x16xf32, #tpu.memory_space<vmem_shared>>)
        tpu.yield
      }) : () -> ()
    } else {
    }
    %eq3A_3 = arith.constant 1 : i32
    %eq3A_4 = arith.cmpi eq, %arg0, %eq3A_3 : i32
    %convert_element_type3A_5 = arith.extui %eq3A_4 : i1 to i32
    %cond3A_6 = arith.constant 0 : i32
    %cond3A_7 = arith.cmpi ne, %convert_element_type3A_5, %cond3A_6 : i32
    scf.if %cond3A_7 {
      %scan3A = arith.constant 0 : i32
      %scan3A_27 = arith.constant 0 : i32
      %scan3A_28 = arith.constant 640 : i32
      %scan3A_29 = arith.addi %scan3A_27, %scan3A_28 : i32
      %scan3A_30 = arith.constant 1 : i32
      scf.for %scan3A_34 = %scan3A_27 to %scan3A_29 step %scan3A_30  : i32 {
        %broadcast_in_dim3A = arith.constant 0.000000e+00 : f32
        %broadcast_in_dim3A_35 = vector.broadcast %broadcast_in_dim3A : f32 to vector<16xf32>
        %swap3A = arith.index_cast %scan3A_34 : i32 to index
        %swap3A_36 = arith.constant 0 : index
        %swap3A_37 = tpu.vector_load %arg9[%swap3A, %swap3A_36] {strides = array<i32>} : memref<640x16xf32, #tpu.memory_space<vmem>>, vector<1x16xf32>,
        %swap3A_38 = vector.shape_cast %swap3A_37 : vector<1x16xf32> to vector<16xf32>
        %swap3A_39 = vector.shape_cast %broadcast_in_dim3A_35 : vector<16xf32> to vector<1x16xf32>
        tpu.vector_store %arg9[%swap3A, %swap3A_36], %swap3A_39 {strides = array<i32>} : memref<640x16xf32, #tpu.memory_space<vmem>>, vector<1x16xf32>,
      }
      %scan3A_31 = arith.constant 640 : i32
      %mul3A_32 = arith.constant 640 : i32
      %mul3A_33 = arith.muli %arg1, %mul3A_32 : i32
      "tpu.region"() ({
        %run_scoped3A = tpu.sem_alloc : memref<!tpu.dma_semaphore, #tpu.memory_space<semaphore_mem>>
        %dma_start3A_34 = arith.constant 0 : i32
        %dma_start3A_35 = tpu.memref_slice %arg10[%mul3A_33, %dma_start3A_34] : memref<10240x16xf32, #tpu.memory_space<vmem_shared>> -> memref<640x16xf32, #tpu.memory_space<vmem_shared>>
        %dma_start3A_36 = arith.constant 0 : i32
        %dma_start3A_37 = tpu.memref_slice %arg10[%mul3A_33, %dma_start3A_36] : memref<10240x16xf32, #tpu.memory_space<vmem_shared>> -> memref<640x16xf32, #tpu.memory_space<vmem_shared>>
        tpu.enqueue_dma source(%arg9 : memref<640x16xf32, #tpu.memory_space<vmem>>) target(%dma_start3A_37 : memref<640x16xf32, #tpu.memory_space<vmem_shared>>) target_semaphore(%run_scoped3A : memref<!tpu.dma_semaphore, #tpu.memory_space<semaphore_mem>>)
        %dma_wait3A_38 = arith.constant 0 : i32
        %dma_wait3A_39 = tpu.memref_slice %arg10[%mul3A_33, %dma_wait3A_38] : memref<10240x16xf32, #tpu.memory_space<vmem_shared>> -> memref<640x16xf32, #tpu.memory_space<vmem_shared>>
        %dma_wait3A_40 = arith.constant 0 : i32
        %dma_wait3A_41 = tpu.memref_slice %arg10[%mul3A_33, %dma_wait3A_40] : memref<10240x16xf32, #tpu.memory_space<vmem_shared>> -> memref<640x16xf32, #tpu.memory_space<vmem_shared>>
        tpu.wait_dma2 semaphore(%run_scoped3A : memref<!tpu.dma_semaphore, #tpu.memory_space<semaphore_mem>>) src(%arg9 : memref<640x16xf32, #tpu.memory_space<vmem>>) dst(%dma_wait3A_41 : memref<640x16xf32, #tpu.memory_space<vmem_shared>>)
        tpu.yield
      }) : () -> ()
    } else {
    }
    %barrier3A = arith.constant 0 : index
    tpu.barrier barrier_id(%barrier3A)
    %mul3A_8 = arith.constant 5120 : i32
    %mul3A_9 = arith.muli %add3A, %mul3A_8 : i32
    "tpu.region"() ({
      %run_scoped3A = tpu.sem_alloc : memref<!tpu.dma_semaphore, #tpu.memory_space<semaphore_mem>>
      %dma_start3A_27 = tpu.memref_slice %arg3[%mul3A_9] : memref<163840xi32, #tpu.memory_space<hbm>> -> memref<5120xi32, #tpu.memory_space<hbm>>
      %dma_start3A_28 = tpu.memref_slice %arg3[%mul3A_9] : memref<163840xi32, #tpu.memory_space<hbm>> -> memref<5120xi32, #tpu.memory_space<hbm>>
      tpu.enqueue_dma source(%dma_start3A_28 : memref<5120xi32, #tpu.memory_space<hbm>>) target(%arg7 : memref<5120xi32, #tpu.memory_space<vmem>>) target_semaphore(%run_scoped3A : memref<!tpu.dma_semaphore, #tpu.memory_space<semaphore_mem>>)
      %dma_wait3A_29 = tpu.memref_slice %arg3[%mul3A_9] : memref<163840xi32, #tpu.memory_space<hbm>> -> memref<5120xi32, #tpu.memory_space<hbm>>
      %dma_wait3A_30 = tpu.memref_slice %arg3[%mul3A_9] : memref<163840xi32, #tpu.memory_space<hbm>> -> memref<5120xi32, #tpu.memory_space<hbm>>
      tpu.wait_dma2 semaphore(%run_scoped3A : memref<!tpu.dma_semaphore, #tpu.memory_space<semaphore_mem>>) src(%dma_wait3A_30 : memref<5120xi32, #tpu.memory_space<hbm>>) dst(%arg7 : memref<5120xi32, #tpu.memory_space<vmem>>)
      tpu.yield
    }) : () -> ()
    %mul3A_10 = arith.constant 5120 : i32
    %mul3A_11 = arith.muli %add3A, %mul3A_10 : i32
    "tpu.region"() ({
      %run_scoped3A = tpu.sem_alloc : memref<!tpu.dma_semaphore, #tpu.memory_space<semaphore_mem>>
      %dma_start3A_27 = arith.constant 0 : i32
      %dma_start3A_28 = tpu.memref_slice %arg2[%mul3A_11, %dma_start3A_27] : memref<163840x16xf32, #tpu.memory_space<hbm>> -> memref<5120x16xf32, #tpu.memory_space<hbm>>
      %dma_start3A_29 = arith.constant 0 : i32
      %dma_start3A_30 = tpu.memref_slice %arg2[%mul3A_11, %dma_start3A_29] : memref<163840x16xf32, #tpu.memory_space<hbm>> -> memref<5120x16xf32, #tpu.memory_space<hbm>>
      tpu.enqueue_dma source(%dma_start3A_30 : memref<5120x16xf32, #tpu.memory_space<hbm>>) target(%arg8 : memref<5120x16xf32, #tpu.memory_space<vmem>>) target_semaphore(%run_scoped3A : memref<!tpu.dma_semaphore, #tpu.memory_space<semaphore_mem>>)
      %dma_wait3A_31 = arith.constant 0 : i32
      %dma_wait3A_32 = tpu.memref_slice %arg2[%mul3A_11, %dma_wait3A_31] : memref<163840x16xf32, #tpu.memory_space<hbm>> -> memref<5120x16xf32, #tpu.memory_space<hbm>>
      %dma_wait3A_33 = arith.constant 0 : i32
      %dma_wait3A_34 = tpu.memref_slice %arg2[%mul3A_11, %dma_wait3A_33] : memref<163840x16xf32, #tpu.memory_space<hbm>> -> memref<5120x16xf32, #tpu.memory_space<hbm>>
      tpu.wait_dma2 semaphore(%run_scoped3A : memref<!tpu.dma_semaphore, #tpu.memory_space<semaphore_mem>>) src(%dma_wait3A_34 : memref<5120x16xf32, #tpu.memory_space<hbm>>) dst(%arg8 : memref<5120x16xf32, #tpu.memory_space<vmem>>)
      tpu.yield
    }) : () -> ()
    %dma_start3A = arith.constant 0 : i32
    %dma_start3A_12 = arith.constant 0 : i32
    %dma_start3A_13 = tpu.memref_slice %arg10[%dma_start3A, %dma_start3A_12] : memref<10240x16xf32, #tpu.memory_space<vmem_shared>> -> memref<10240x16xf32, #tpu.memory_space<vmem_shared>>
    tpu.enqueue_indirect_dma source(%arg8 : memref<5120x16xf32, #tpu.memory_space<vmem>>) target(%dma_start3A_13 : memref<10240x16xf32, #tpu.memory_space<vmem_shared>>) offsets(%arg7 : memref<5120xi32, #tpu.memory_space<vmem>>) semaphore(%arg11 : memref<!tpu.dma_semaphore, #tpu.memory_space<semaphore_mem>>) {add = true}
    %dma_wait3A = arith.constant 0 : i32
    %dma_wait3A_14 = arith.constant 0 : i32
    %dma_wait3A_15 = tpu.memref_slice %arg10[%dma_wait3A, %dma_wait3A_14] : memref<10240x16xf32, #tpu.memory_space<vmem_shared>> -> memref<10240x16xf32, #tpu.memory_space<vmem_shared>>
    tpu.wait_indirect_dma semaphore(%arg11 : memref<!tpu.dma_semaphore, #tpu.memory_space<semaphore_mem>>) src(%arg8 : memref<5120x16xf32, #tpu.memory_space<vmem>>) dst(%dma_wait3A_15 : memref<10240x16xf32, #tpu.memory_space<vmem_shared>>)
    %barrier3A_16 = arith.constant 0 : index
    tpu.barrier barrier_id(%barrier3A_16)
    %eq3A_17 = arith.constant 0 : i32
    %eq3A_18 = arith.cmpi eq, %arg0, %eq3A_17 : i32
    %convert_element_type3A_19 = arith.extui %eq3A_18 : i1 to i32
    %cond3A_20 = arith.constant 0 : i32
    %cond3A_21 = arith.cmpi ne, %convert_element_type3A_19, %cond3A_20 : i32
    scf.if %cond3A_21 {
      %mul3A_27 = arith.constant 640 : i32
      %mul3A_28 = arith.muli %arg1, %mul3A_27 : i32
      %mul3A_29 = arith.constant 640 : i32
      %mul3A_30 = arith.muli %arg1, %mul3A_29 : i32
      "tpu.region"() ({
        %run_scoped3A = tpu.sem_alloc : memref<!tpu.dma_semaphore, #tpu.memory_space<semaphore_mem>>
        %dma_start3A_31 = arith.constant 0 : i32
        %dma_start3A_32 = tpu.memref_slice %arg5[%mul3A_30, %dma_start3A_31] : memref<10240x16xf32, #tpu.memory_space<hbm>> -> memref<640x16xf32, #tpu.memory_space<hbm>>
        %dma_start3A_33 = arith.constant 0 : i32
        %dma_start3A_34 = tpu.memref_slice %arg10[%mul3A_28, %dma_start3A_33] : memref<10240x16xf32, #tpu.memory_space<vmem_shared>> -> memref<640x16xf32, #tpu.memory_space<vmem_shared>>
        tpu.enqueue_dma source(%dma_start3A_34 : memref<640x16xf32, #tpu.memory_space<vmem_shared>>) target(%dma_start3A_32 : memref<640x16xf32, #tpu.memory_space<hbm>>) target_semaphore(%run_scoped3A : memref<!tpu.dma_semaphore, #tpu.memory_space<semaphore_mem>>)
        %dma_wait3A_35 = arith.constant 0 : i32
        %dma_wait3A_36 = tpu.memref_slice %arg5[%mul3A_30, %dma_wait3A_35] : memref<10240x16xf32, #tpu.memory_space<hbm>> -> memref<640x16xf32, #tpu.memory_space<hbm>>
        %dma_wait3A_37 = arith.constant 0 : i32
        %dma_wait3A_38 = tpu.memref_slice %arg10[%mul3A_28, %dma_wait3A_37] : memref<10240x16xf32, #tpu.memory_space<vmem_shared>> -> memref<640x16xf32, #tpu.memory_space<vmem_shared>>
        tpu.wait_dma2 semaphore(%run_scoped3A : memref<!tpu.dma_semaphore, #tpu.memory_space<semaphore_mem>>) src(%dma_wait3A_38 : memref<640x16xf32, #tpu.memory_space<vmem_shared>>) dst(%dma_wait3A_36 : memref<640x16xf32, #tpu.memory_space<hbm>>)
        tpu.yield
      }) : () -> ()
    } else {
    }
    %eq3A_22 = arith.constant 1 : i32
    %eq3A_23 = arith.cmpi eq, %arg0, %eq3A_22 : i32
    %convert_element_type3A_24 = arith.extui %eq3A_23 : i1 to i32
    %cond3A_25 = arith.constant 0 : i32
    %cond3A_26 = arith.cmpi ne, %convert_element_type3A_24, %cond3A_25 : i32
    scf.if %cond3A_26 {
      %mul3A_27 = arith.constant 640 : i32
      %mul3A_28 = arith.muli %arg1, %mul3A_27 : i32
      %mul3A_29 = arith.constant 640 : i32
      %mul3A_30 = arith.muli %arg1, %mul3A_29 : i32
      "tpu.region"() ({
        %run_scoped3A = tpu.sem_alloc : memref<!tpu.dma_semaphore, #tpu.memory_space<semaphore_mem>>
        %dma_start3A_31 = arith.constant 0 : i32
        %dma_start3A_32 = tpu.memref_slice %arg6[%mul3A_30, %dma_start3A_31] : memref<10240x16xf32, #tpu.memory_space<hbm>> -> memref<640x16xf32, #tpu.memory_space<hbm>>
        %dma_start3A_33 = arith.constant 0 : i32
        %dma_start3A_34 = tpu.memref_slice %arg10[%mul3A_28, %dma_start3A_33] : memref<10240x16xf32, #tpu.memory_space<vmem_shared>> -> memref<640x16xf32, #tpu.memory_space<vmem_shared>>
        tpu.enqueue_dma source(%dma_start3A_34 : memref<640x16xf32, #tpu.memory_space<vmem_shared>>) target(%dma_start3A_32 : memref<640x16xf32, #tpu.memory_space<hbm>>) target_semaphore(%run_scoped3A : memref<!tpu.dma_semaphore, #tpu.memory_space<semaphore_mem>>)
        %dma_wait3A_35 = arith.constant 0 : i32
        %dma_wait3A_36 = tpu.memref_slice %arg6[%mul3A_30, %dma_wait3A_35] : memref<10240x16xf32, #tpu.memory_space<hbm>> -> memref<640x16xf32, #tpu.memory_space<hbm>>
        %dma_wait3A_37 = arith.constant 0 : i32
        %dma_wait3A_38 = tpu.memref_slice %arg10[%mul3A_28, %dma_wait3A_37] : memref<10240x16xf32, #tpu.memory_space<vmem_shared>> -> memref<640x16xf32, #tpu.memory_space<vmem_shared>>
        tpu.wait_dma2 semaphore(%run_scoped3A : memref<!tpu.dma_semaphore, #tpu.memory_space<semaphore_mem>>) src(%dma_wait3A_38 : memref<640x16xf32, #tpu.memory_space<vmem_shared>>) dst(%dma_wait3A_36 : memref<640x16xf32, #tpu.memory_space<hbm>>)
        tpu.yield
      }) : () -> ()
    } else {
    }
    return
  }
}

module attributes {stable_mosaic.version = 14 : i64} {
  func.func @_h0_body(%arg0: memref<10000x128xf32, #tpu.memory_space<vmem>>, %arg1: memref<128x16xf32, #tpu.memory_space<vmem>>, %arg2: memref<1x16xf32, #tpu.memory_space<vmem>>, %arg3: memref<10000x16xf32, #tpu.memory_space<vmem>>) attributes {dimension_semantics = [], scalar_prefetch = 0 : i64, scratch_operands = 0 : i64, tpu.core_type = #tpu.core_type<tc>} {
    %get3A = arith.constant 0 : index
    %get3A_0 = arith.constant 0 : index
    %get3A_1 = vector.load %arg0[%get3A, %get3A_0] : memref<10000x128xf32, #tpu.memory_space<vmem>>, vector<10000x128xf32>
    %get3A_2 = arith.constant 0 : index
    %get3A_3 = arith.constant 0 : index
    %get3A_4 = vector.load %arg1[%get3A_2, %get3A_3] : memref<128x16xf32, #tpu.memory_space<vmem>>, vector<128x16xf32>
    %dot_general3A = arith.constant dense<0.000000e+00> : vector<10000x16xf32>
    %dot_general3A_5 = tpu.matmul %get3A_1, %get3A_4, %dot_general3A {dimension_numbers = #tpu.dot_dimension_numbers<[1], [0], [0], [1], [0, 0, 1, 1], [], []>, transpose_lhs_hint = false} : vector<10000x128xf32>, vector<128x16xf32>, vector<10000x16xf32> -> vector<10000x16xf32>
    %get3A_6 = arith.constant 0 : index
    %get3A_7 = arith.constant 0 : index
    %get3A_8 = vector.load %arg2[%get3A_6, %get3A_7] : memref<1x16xf32, #tpu.memory_space<vmem>>, vector<1x16xf32>
    %add3A = vector.broadcast %get3A_8 : vector<1x16xf32> to vector<10000x16xf32>
    %add3A_9 = arith.addf %dot_general3A_5, %add3A : vector<10000x16xf32>
    %ge3A = arith.constant 0.000000e+00 : f32
    %ge3A_10 = vector.broadcast %ge3A : f32 to vector<10000x16xf32>
    %ge3A_11 = arith.cmpf oge, %add3A_9, %ge3A_10 : vector<10000x16xf32>
    %mul3A = arith.constant 0.00999999977 : f32
    %mul3A_12 = vector.broadcast %mul3A : f32 to vector<10000x16xf32>
    %mul3A_13 = arith.mulf %mul3A_12, %add3A_9 : vector<10000x16xf32>
    %select_n3A = arith.select %ge3A_11, %add3A_9, %mul3A_13 : vector<10000x16xi1>, vector<10000x16xf32>
    %swap3A = arith.constant 0 : index
    %swap3A_14 = arith.constant 0 : index
    %swap3A_15 = vector.load %arg3[%swap3A, %swap3A_14] : memref<10000x16xf32, #tpu.memory_space<vmem>>, vector<10000x16xf32>
    tpu.vector_store %arg3[%swap3A, %swap3A_14], %select_n3A {strides = array<i32>} : memref<10000x16xf32, #tpu.memory_space<vmem>>, vector<10000x16xf32>,
    return
  }
}

module attributes {stable_mosaic.version = 14 : i64} {
  func.func @_hroot1_body(%arg0: memref<10000x16xf32, #tpu.memory_space<vmem>>, %arg1: memref<16x16xf32, #tpu.memory_space<vmem>>, %arg2: memref<1x16xf32, #tpu.memory_space<vmem>>, %arg3: memref<10240x16xf32, #tpu.memory_space<vmem>>) attributes {dimension_semantics = [], scalar_prefetch = 0 : i64, scratch_operands = 0 : i64, tpu.core_type = #tpu.core_type<tc>} {
    %get3A = arith.constant 0 : index
    %get3A_0 = arith.constant 0 : index
    %get3A_1 = vector.load %arg0[%get3A, %get3A_0] : memref<10000x16xf32, #tpu.memory_space<vmem>>, vector<10000x16xf32>
    %get3A_2 = arith.constant 0 : index
    %get3A_3 = arith.constant 0 : index
    %get3A_4 = vector.load %arg1[%get3A_2, %get3A_3] : memref<16x16xf32, #tpu.memory_space<vmem>>, vector<16x16xf32>
    %dot_general3A = arith.constant dense<0.000000e+00> : vector<10000x16xf32>
    %dot_general3A_5 = tpu.matmul %get3A_1, %get3A_4, %dot_general3A {dimension_numbers = #tpu.dot_dimension_numbers<[1], [0], [0], [1], [0, 0, 1, 1], [], []>, transpose_lhs_hint = false} : vector<10000x16xf32>, vector<16x16xf32>, vector<10000x16xf32> -> vector<10000x16xf32>
    %get3A_6 = arith.constant 0 : index
    %get3A_7 = arith.constant 0 : index
    %get3A_8 = vector.load %arg2[%get3A_6, %get3A_7] : memref<1x16xf32, #tpu.memory_space<vmem>>, vector<1x16xf32>
    %add3A = vector.broadcast %get3A_8 : vector<1x16xf32> to vector<10000x16xf32>
    %add3A_9 = arith.addf %dot_general3A_5, %add3A : vector<10000x16xf32>
    %swap3A = arith.constant 0 : index
    %swap3A_10 = arith.constant 0 : index
    %swap3A_11 = vector.load %arg3[%swap3A, %swap3A_10] : memref<10240x16xf32, #tpu.memory_space<vmem>>, vector<10000x16xf32>
    tpu.vector_store %arg3[%swap3A, %swap3A_10], %add3A_9 {strides = array<i32>} : memref<10240x16xf32, #tpu.memory_space<vmem>>, vector<10000x16xf32>,
    %broadcast_in_dim3A = arith.constant 0.000000e+00 : f32
    %broadcast_in_dim3A_12 = vector.broadcast %broadcast_in_dim3A : f32 to vector<240x16xf32>
    %swap3A_13 = arith.constant 10000 : index
    %swap3A_14 = arith.constant 0 : index
    %swap3A_15 = vector.load %arg3[%swap3A_13, %swap3A_14] : memref<10240x16xf32, #tpu.memory_space<vmem>>, vector<240x16xf32>
    tpu.vector_store %arg3[%swap3A_13, %swap3A_14], %broadcast_in_dim3A_12 {strides = array<i32>} : memref<10240x16xf32, #tpu.memory_space<vmem>>, vector<240x16xf32>,
    return
  }
}

module attributes {stable_mosaic.version = 14 : i64} {
  func.func @_msg_body(%arg0: i32, %arg1: memref<1024x128xf32, #tpu.memory_space<vmem>>, %arg2: memref<1024x128xf32, #tpu.memory_space<vmem>>, %arg3: memref<128x128xbf16, #tpu.memory_space<vmem>>, %arg4: memref<1x128xf32, #tpu.memory_space<vmem>>, %arg5: memref<2048x128xbf16, #tpu.memory_space<vmem>>, %arg6: memref<128x128xbf16, #tpu.memory_space<vmem>>, %arg7: memref<128x2048xbf16, #tpu.memory_space<vmem>>, %arg8: memref<128x2048xbf16, #tpu.memory_space<vmem>>, %arg9: memref<1024x128xf32, #tpu.memory_space<vmem>>) attributes {dimension_semantics = [#tpu.dimension_semantics<arbitrary>], iteration_bounds = array<i64: 20>, scalar_prefetch = 0 : i64, scratch_operands = 0 : i64, tpu.core_type = #tpu.core_type<tc>, window_params = [{transform_indices = @transform_0, window_bounds = array<i64: 1024, 128>}, {transform_indices = @transform_1, window_bounds = array<i64: 1024, 128>}, {pipeline_mode = #tpu.pipeline_mode<synchronous>, transform_indices = @transform_2, window_bounds = array<i64: 128, 128>}, {pipeline_mode = #tpu.pipeline_mode<synchronous>, transform_indices = @transform_3, window_bounds = array<i64: 1, 128>}, {pipeline_mode = #tpu.pipeline_mode<synchronous>, transform_indices = @transform_4, window_bounds = array<i64: 2048, 128>}, {pipeline_mode = #tpu.pipeline_mode<synchronous>, transform_indices = @transform_5, window_bounds = array<i64: 128, 128>}, {pipeline_mode = #tpu.pipeline_mode<synchronous>, transform_indices = @transform_6, window_bounds = array<i64: 128, 2048>}, {pipeline_mode = #tpu.pipeline_mode<synchronous>, transform_indices = @transform_7, window_bounds = array<i64: 128, 2048>}, {transform_indices = @transform_8, window_bounds = array<i64: 1024, 128>}]} {
    %get3A = arith.constant 0 : index
    %get3A_0 = arith.constant 0 : index
    %get3A_1 = vector.load %arg1[%get3A, %get3A_0] : memref<1024x128xf32, #tpu.memory_space<vmem>>, vector<1024x128xf32>
    %convert_element_type3A = arith.truncf %get3A_1 : vector<1024x128xf32> to vector<1024x128xbf16>
    %get3A_2 = arith.constant 0 : index
    %get3A_3 = arith.constant 0 : index
    %get3A_4 = vector.load %arg2[%get3A_2, %get3A_3] : memref<1024x128xf32, #tpu.memory_space<vmem>>, vector<1024x128xf32>
    %convert_element_type3A_5 = arith.truncf %get3A_4 : vector<1024x128xf32> to vector<1024x128xbf16>
    %get3A_6 = arith.constant 0 : index
    %get3A_7 = arith.constant 0 : index
    %get3A_8 = vector.load %arg3[%get3A_6, %get3A_7] : memref<128x128xbf16, #tpu.memory_space<vmem>>, vector<128x128xbf16>
    %dot_general3A = arith.constant dense<0.000000e+00> : vector<1024x128xf32>
    %dot_general3A_9 = tpu.matmul %convert_element_type3A, %get3A_8, %dot_general3A {dimension_numbers = #tpu.dot_dimension_numbers<[1], [0], [0], [1], [0, 0, 1, 1], [], []>, transpose_lhs_hint = false} : vector<1024x128xbf16>, vector<128x128xbf16>, vector<1024x128xf32> -> vector<1024x128xf32>
    %get3A_10 = arith.constant 0 : index
    %get3A_11 = arith.constant 0 : index
    %get3A_12 = vector.load %arg4[%get3A_10, %get3A_11] : memref<1x128xf32, #tpu.memory_space<vmem>>, vector<1x128xf32>
    %add3A = vector.broadcast %get3A_12 : vector<1x128xf32> to vector<1024x128xf32>
    %add3A_13 = arith.addf %dot_general3A_9, %add3A : vector<1024x128xf32>
    %max3A = arith.constant 0.000000e+00 : f32
    %max3A_14 = vector.broadcast %max3A : f32 to vector<1024x128xf32>
    %max3A_15 = arith.maximumf %add3A_13, %max3A_14 : vector<1024x128xf32>
    %convert_element_type3A_16 = arith.truncf %max3A_15 : vector<1024x128xf32> to vector<1024x128xbf16>
    %get3A_17 = arith.constant 0 : index
    %get3A_18 = arith.constant 0 : index
    %get3A_19 = vector.load %arg7[%get3A_17, %get3A_18] : memref<128x2048xbf16, #tpu.memory_space<vmem>>, vector<128x2048xbf16>
    %dot_general3A_20 = arith.constant dense<0.000000e+00> : vector<1024x2048xf32>
    %dot_general3A_21 = tpu.matmul %convert_element_type3A_16, %get3A_19, %dot_general3A_20 {dimension_numbers = #tpu.dot_dimension_numbers<[1], [0], [0], [1], [0, 0, 1, 1], [], []>, transpose_lhs_hint = false} : vector<1024x128xbf16>, vector<128x2048xbf16>, vector<1024x2048xf32> -> vector<1024x2048xf32>
    %get3A_22 = arith.constant 0 : index
    %get3A_23 = arith.constant 0 : index
    %get3A_24 = vector.load %arg8[%get3A_22, %get3A_23] : memref<128x2048xbf16, #tpu.memory_space<vmem>>, vector<128x2048xbf16>
    %dot_general3A_25 = arith.constant dense<0.000000e+00> : vector<1024x2048xf32>
    %dot_general3A_26 = tpu.matmul %convert_element_type3A_5, %get3A_24, %dot_general3A_25 {dimension_numbers = #tpu.dot_dimension_numbers<[1], [0], [0], [1], [0, 0, 1, 1], [], []>, transpose_lhs_hint = false} : vector<1024x128xbf16>, vector<128x2048xbf16>, vector<1024x2048xf32> -> vector<1024x2048xf32>
    %mul3A = arith.mulf %dot_general3A_21, %dot_general3A_26 : vector<1024x2048xf32>
    %convert_element_type3A_27 = arith.truncf %mul3A : vector<1024x2048xf32> to vector<1024x2048xbf16>
    %get3A_28 = arith.constant 0 : index
    %get3A_29 = arith.constant 0 : index
    %get3A_30 = vector.load %arg5[%get3A_28, %get3A_29] : memref<2048x128xbf16, #tpu.memory_space<vmem>>, vector<2048x128xbf16>
    %dot_general3A_31 = arith.constant dense<0.000000e+00> : vector<1024x128xf32>
    %dot_general3A_32 = tpu.matmul %convert_element_type3A_27, %get3A_30, %dot_general3A_31 {dimension_numbers = #tpu.dot_dimension_numbers<[1], [0], [0], [1], [0, 0, 1, 1], [], []>, transpose_lhs_hint = false} : vector<1024x2048xbf16>, vector<2048x128xbf16>, vector<1024x128xf32> -> vector<1024x128xf32>
    %get3A_33 = arith.constant 0 : index
    %get3A_34 = arith.constant 0 : index
    %get3A_35 = vector.load %arg6[%get3A_33, %get3A_34] : memref<128x128xbf16, #tpu.memory_space<vmem>>, vector<128x128xbf16>
    %dot_general3A_36 = arith.constant dense<0.000000e+00> : vector<1024x128xf32>
    %dot_general3A_37 = tpu.matmul %convert_element_type3A_5, %get3A_35, %dot_general3A_36 {dimension_numbers = #tpu.dot_dimension_numbers<[1], [0], [0], [1], [0, 0, 1, 1], [], []>, transpose_lhs_hint = false} : vector<1024x128xbf16>, vector<128x128xbf16>, vector<1024x128xf32> -> vector<1024x128xf32>
    %add3A_38 = arith.addf %dot_general3A_32, %dot_general3A_37 : vector<1024x128xf32>
    %swap3A = arith.constant 0 : index
    %swap3A_39 = arith.constant 0 : index
    %swap3A_40 = vector.load %arg9[%swap3A, %swap3A_39] : memref<1024x128xf32, #tpu.memory_space<vmem>>, vector<1024x128xf32>
    tpu.vector_store %arg9[%swap3A, %swap3A_39], %add3A_38 {strides = array<i32>} : memref<1024x128xf32, #tpu.memory_space<vmem>>, vector<1024x128xf32>,
    return
  }
  func.func @transform_0(%arg0: i32) -> (i32, i32) {
    %c0_i32 = arith.constant 0 : i32
    %c0_i32_0 = arith.constant 0 : i32
    return %arg0, %c0_i32 : i32, i32
  }
  func.func @transform_1(%arg0: i32) -> (i32, i32) {
    %c0_i32 = arith.constant 0 : i32
    %c0_i32_0 = arith.constant 0 : i32
    return %arg0, %c0_i32 : i32, i32
  }
  func.func @transform_2(%arg0: i32) -> (i32, i32) {
    %c0_i32 = arith.constant 0 : i32
    %c0_i32_0 = arith.constant 0 : i32
    %c0_i32_1 = arith.constant 0 : i32
    return %c0_i32, %c0_i32_0 : i32, i32
  }
  func.func @transform_3(%arg0: i32) -> (i32, i32) {
    %c0_i32 = arith.constant 0 : i32
    %c0_i32_0 = arith.constant 0 : i32
    %c0_i32_1 = arith.constant 0 : i32
    return %c0_i32, %c0_i32_0 : i32, i32
  }
  func.func @transform_4(%arg0: i32) -> (i32, i32) {
    %c0_i32 = arith.constant 0 : i32
    %c0_i32_0 = arith.constant 0 : i32
    %c0_i32_1 = arith.constant 0 : i32
    return %c0_i32, %c0_i32_0 : i32, i32
  }
  func.func @transform_5(%arg0: i32) -> (i32, i32) {
    %c0_i32 = arith.constant 0 : i32
    %c0_i32_0 = arith.constant 0 : i32
    %c0_i32_1 = arith.constant 0 : i32
    return %c0_i32, %c0_i32_0 : i32, i32
  }
  func.func @transform_6(%arg0: i32) -> (i32, i32) {
    %c0_i32 = arith.constant 0 : i32
    %c0_i32_0 = arith.constant 0 : i32
    %c0_i32_1 = arith.constant 0 : i32
    return %c0_i32, %c0_i32_0 : i32, i32
  }
  func.func @transform_7(%arg0: i32) -> (i32, i32) {
    %c0_i32 = arith.constant 0 : i32
    %c0_i32_0 = arith.constant 0 : i32
    %c0_i32_1 = arith.constant 0 : i32
    return %c0_i32, %c0_i32_0 : i32, i32
  }
  func.func @transform_8(%arg0: i32) -> (i32, i32) {
    %c0_i32 = arith.constant 0 : i32
    %c0_i32_0 = arith.constant 0 : i32
    return %arg0, %c0_i32 : i32, i32
  }
}

module attributes {stable_mosaic.version = 14 : i64} {
  func.func @_upd_body(%arg0: memref<1280x128xf32, #tpu.memory_space<vmem>>, %arg1: memref<1280x128xf32, #tpu.memory_space<vmem>>, %arg2: memref<1280x128xf32, #tpu.memory_space<vmem>>) attributes {dimension_semantics = [], scalar_prefetch = 0 : i64, scratch_operands = 0 : i64, tpu.core_type = #tpu.core_type<tc>} {
    %get3A = arith.constant 0 : index
    %get3A_0 = arith.constant 0 : index
    %get3A_1 = vector.load %arg0[%get3A, %get3A_0] : memref<1280x128xf32, #tpu.memory_space<vmem>>, vector<1280x128xf32>
    %get3A_2 = arith.constant 0 : index
    %get3A_3 = arith.constant 0 : index
    %get3A_4 = vector.load %arg1[%get3A_2, %get3A_3] : memref<1280x128xf32, #tpu.memory_space<vmem>>, vector<1280x128xf32>
    %add3A = arith.addf %get3A_1, %get3A_4 : vector<1280x128xf32>
    %ge3A = arith.constant 0.000000e+00 : f32
    %ge3A_5 = vector.broadcast %ge3A : f32 to vector<1280x128xf32>
    %ge3A_6 = arith.cmpf oge, %add3A, %ge3A_5 : vector<1280x128xf32>
    %mul3A = arith.constant 0.00999999977 : f32
    %mul3A_7 = vector.broadcast %mul3A : f32 to vector<1280x128xf32>
    %mul3A_8 = arith.mulf %mul3A_7, %add3A : vector<1280x128xf32>
    %select_n3A = arith.select %ge3A_6, %add3A, %mul3A_8 : vector<1280x128xi1>, vector<1280x128xf32>
    %swap3A = arith.constant 0 : index
    %swap3A_9 = arith.constant 0 : index
    %swap3A_10 = vector.load %arg2[%swap3A, %swap3A_9] : memref<1280x128xf32, #tpu.memory_space<vmem>>, vector<1280x128xf32>
    tpu.vector_store %arg2[%swap3A, %swap3A_9], %select_n3A {strides = array<i32>} : memref<1280x128xf32, #tpu.memory_space<vmem>>, vector<1280x128xf32>,
    return
  }
}

module attributes {stable_mosaic.version = 14 : i64} {
  func.func @_hroot2_body(%arg0: memref<1280x128xf32, #tpu.memory_space<vmem>>, %arg1: memref<128x128xf32, #tpu.memory_space<vmem>>, %arg2: memref<1x128xf32, #tpu.memory_space<vmem>>, %arg3: memref<1280x128xf32, #tpu.memory_space<vmem>>) attributes {dimension_semantics = [], scalar_prefetch = 0 : i64, scratch_operands = 0 : i64, tpu.core_type = #tpu.core_type<tc>} {
    %get3A = arith.constant 0 : index
    %get3A_0 = arith.constant 0 : index
    %get3A_1 = vector.load %arg0[%get3A, %get3A_0] : memref<1280x128xf32, #tpu.memory_space<vmem>>, vector<1280x128xf32>
    %get3A_2 = arith.constant 0 : index
    %get3A_3 = arith.constant 0 : index
    %get3A_4 = vector.load %arg1[%get3A_2, %get3A_3] : memref<128x128xf32, #tpu.memory_space<vmem>>, vector<128x128xf32>
    %dot_general3A = arith.constant dense<0.000000e+00> : vector<1280x128xf32>
    %dot_general3A_5 = tpu.matmul %get3A_1, %get3A_4, %dot_general3A {dimension_numbers = #tpu.dot_dimension_numbers<[1], [0], [0], [1], [0, 0, 1, 1], [], []>, transpose_lhs_hint = false} : vector<1280x128xf32>, vector<128x128xf32>, vector<1280x128xf32> -> vector<1280x128xf32>
    %get3A_6 = arith.constant 0 : index
    %get3A_7 = arith.constant 0 : index
    %get3A_8 = vector.load %arg2[%get3A_6, %get3A_7] : memref<1x128xf32, #tpu.memory_space<vmem>>, vector<1x128xf32>
    %add3A = vector.broadcast %get3A_8 : vector<1x128xf32> to vector<1280x128xf32>
    %add3A_9 = arith.addf %dot_general3A_5, %add3A : vector<1280x128xf32>
    %swap3A = arith.constant 0 : index
    %swap3A_10 = arith.constant 0 : index
    %swap3A_11 = vector.load %arg3[%swap3A, %swap3A_10] : memref<1280x128xf32, #tpu.memory_space<vmem>>, vector<1280x128xf32>
    tpu.vector_store %arg3[%swap3A, %swap3A_10], %add3A_9 {strides = array<i32>} : memref<1280x128xf32, #tpu.memory_space<vmem>>, vector<1280x128xf32>,
    return
  }
}

module attributes {stable_mosaic.version = 14 : i64} {
  func.func @_final_body(%arg0: i32, %arg1: memref<1000x16xf32, #tpu.memory_space<vmem>>, %arg2: memref<1000x16xf32, #tpu.memory_space<vmem>>, %arg3: memref<1x1x1000xi32, #tpu.memory_space<vmem>>, %arg4: memref<16x64xf32, #tpu.memory_space<vmem>>, %arg5: memref<1x64xf32, #tpu.memory_space<vmem>>, %arg6: memref<1000x16xf32, #tpu.memory_space<vmem>>, %arg7: memref<256x64xf32, #tpu.memory_space<vmem>>, %arg8: memref<256x16xf32, #tpu.memory_space<vmem>>) attributes {dimension_semantics = [#tpu.dimension_semantics<arbitrary>], iteration_bounds = array<i64: 10>, scalar_prefetch = 0 : i64, scratch_operands = 1 : i64, tpu.core_type = #tpu.core_type<tc>, window_params = [{transform_indices = @transform_0, window_bounds = array<i64: 1000, 16>}, {transform_indices = @transform_1, window_bounds = array<i64: 1000, 16>}, {transform_indices = @transform_2, window_bounds = array<i64: 1, 1, 1000>}, {pipeline_mode = #tpu.pipeline_mode<synchronous>, transform_indices = @transform_3, window_bounds = array<i64: 16, 64>}, {pipeline_mode = #tpu.pipeline_mode<synchronous>, transform_indices = @transform_4, window_bounds = array<i64: 1, 64>}, {transform_indices = @transform_5, window_bounds = array<i64: 1000, 16>}, {pipeline_mode = #tpu.pipeline_mode<synchronous>, transform_indices = @transform_6, window_bounds = array<i64: 256, 64>}]} {
    %get3A = arith.constant 0 : index
    %get3A_0 = arith.constant 0 : index
    %get3A_1 = vector.load %arg1[%get3A, %get3A_0] : memref<1000x16xf32, #tpu.memory_space<vmem>>, vector<1000x16xf32>
    %get3A_2 = arith.constant 0 : index
    %get3A_3 = arith.constant 0 : index
    %get3A_4 = vector.load %arg2[%get3A_2, %get3A_3] : memref<1000x16xf32, #tpu.memory_space<vmem>>, vector<1000x16xf32>
    %add3A = arith.addf %get3A_1, %get3A_4 : vector<1000x16xf32>
    %ge3A = arith.constant 0.000000e+00 : f32
    %ge3A_5 = vector.broadcast %ge3A : f32 to vector<1000x16xf32>
    %ge3A_6 = arith.cmpf oge, %add3A, %ge3A_5 : vector<1000x16xf32>
    %mul3A = arith.constant 0.00999999977 : f32
    %mul3A_7 = vector.broadcast %mul3A : f32 to vector<1000x16xf32>
    %mul3A_8 = arith.mulf %mul3A_7, %add3A : vector<1000x16xf32>
    %select_n3A = arith.select %ge3A_6, %add3A, %mul3A_8 : vector<1000x16xi1>, vector<1000x16xf32>
    %swap3A = arith.constant 0 : index
    %swap3A_9 = arith.constant 0 : index
    %swap3A_10 = vector.load %arg6[%swap3A, %swap3A_9] : memref<1000x16xf32, #tpu.memory_space<vmem>>, vector<1000x16xf32>
    tpu.vector_store %arg6[%swap3A, %swap3A_9], %select_n3A {strides = array<i32>} : memref<1000x16xf32, #tpu.memory_space<vmem>>, vector<1000x16xf32>,
    %get3A_11 = arith.constant 0 : index
    %get3A_12 = arith.constant 0 : index
    %get3A_13 = arith.constant 0 : index
    %get3A_14 = vector.load %arg3[%get3A_11, %get3A_12, %get3A_13] : memref<1x1x1000xi32, #tpu.memory_space<vmem>>, vector<1x1x1000xi32>
    %get3A_15 = vector.shape_cast %get3A_14 : vector<1x1x1000xi32> to vector<1000xi32>
    %iota3A = tpu.iota {dimensions = array<i32: 0>} : vector<256x1000xi32>
    %broadcast_in_dim3A = vector.shape_cast %get3A_15 : vector<1000xi32> to vector<1x1000xi32>
    %eq3A = vector.broadcast %broadcast_in_dim3A : vector<1x1000xi32> to vector<256x1000xi32>
    %eq3A_16 = arith.cmpi eq, %iota3A, %eq3A : vector<256x1000xi32>
    %convert_element_type3A = arith.extui %eq3A_16 : vector<256x1000xi1> to vector<256x1000xi32>
    %convert_element_type3A_17 = arith.sitofp %convert_element_type3A : vector<256x1000xi32> to vector<256x1000xf32>
    %dot_general3A = arith.constant dense<0.000000e+00> : vector<256x16xf32>
    %dot_general3A_18 = tpu.matmul %convert_element_type3A_17, %select_n3A, %dot_general3A {dimension_numbers = #tpu.dot_dimension_numbers<[1], [0], [0], [1], [0, 0, 1, 1], [], []>, transpose_lhs_hint = false} : vector<256x1000xf32>, vector<1000x16xf32>, vector<256x16xf32> -> vector<256x16xf32>
    %eq3A_19 = arith.constant 0 : i32
    %eq3A_20 = arith.cmpi eq, %arg0, %eq3A_19 : i32
    %convert_element_type3A_21 = arith.extui %eq3A_20 : i1 to i32
    %cond3A = arith.constant 0 : i32
    %cond3A_22 = arith.cmpi ne, %convert_element_type3A_21, %cond3A : i32
    scf.if %cond3A_22 {
      %swap3A_32 = arith.constant 0 : index
      %swap3A_33 = arith.constant 0 : index
      %swap3A_34 = vector.load %arg8[%swap3A_32, %swap3A_33] : memref<256x16xf32, #tpu.memory_space<vmem>>, vector<256x16xf32>
      tpu.vector_store %arg8[%swap3A_32, %swap3A_33], %dot_general3A_18 {strides = array<i32>} : memref<256x16xf32, #tpu.memory_space<vmem>>, vector<256x16xf32>,
    } else {
    }
    %gt3A = arith.constant 0 : i32
    %gt3A_23 = arith.cmpi sgt, %arg0, %gt3A : i32
    %convert_element_type3A_24 = arith.extui %gt3A_23 : i1 to i32
    %cond3A_25 = arith.constant 0 : i32
    %cond3A_26 = arith.cmpi ne, %convert_element_type3A_24, %cond3A_25 : i32
    scf.if %cond3A_26 {
      %get3A_32 = arith.constant 0 : index
      %get3A_33 = arith.constant 0 : index
      %get3A_34 = vector.load %arg8[%get3A_32, %get3A_33] : memref<256x16xf32, #tpu.memory_space<vmem>>, vector<256x16xf32>
      %add3A_35 = arith.addf %get3A_34, %dot_general3A_18 : vector<256x16xf32>
      %swap3A_36 = arith.constant 0 : index
      %swap3A_37 = arith.constant 0 : index
      %swap3A_38 = vector.load %arg8[%swap3A_36, %swap3A_37] : memref<256x16xf32, #tpu.memory_space<vmem>>, vector<256x16xf32>
      tpu.vector_store %arg8[%swap3A_36, %swap3A_37], %add3A_35 {strides = array<i32>} : memref<256x16xf32, #tpu.memory_space<vmem>>, vector<256x16xf32>,
    } else {
    }
    %eq3A_27 = arith.constant 9 : i32
    %eq3A_28 = arith.cmpi eq, %arg0, %eq3A_27 : i32
    %convert_element_type3A_29 = arith.extui %eq3A_28 : i1 to i32
    %cond3A_30 = arith.constant 0 : i32
    %cond3A_31 = arith.cmpi ne, %convert_element_type3A_29, %cond3A_30 : i32
    scf.if %cond3A_31 {
      %get3A_32 = arith.constant 0 : index
      %get3A_33 = arith.constant 0 : index
      %get3A_34 = vector.load %arg8[%get3A_32, %get3A_33] : memref<256x16xf32, #tpu.memory_space<vmem>>, vector<256x16xf32>
      %mul3A_35 = arith.mulf %get3A_34, %get3A_34 : vector<256x16xf32>
      %reduce_sum3A = arith.constant dense<0.000000e+00> : vector<256xf32>
      %reduce_sum3A_36 = vector.multi_reduction <add>, %mul3A_35, %reduce_sum3A [1] : vector<256x16xf32> to vector<256xf32>
      %broadcast_in_dim3A_37 = vector.shape_cast %reduce_sum3A_36 : vector<256xf32> to vector<256x1xf32>
      %sqrt3A = math.sqrt %broadcast_in_dim3A_37 : vector<256x1xf32>
      %max3A = arith.constant 9.99999996E-13 : f32
      %max3A_38 = vector.broadcast %max3A : f32 to vector<256x1xf32>
      %max3A_39 = arith.maximumf %sqrt3A, %max3A_38 : vector<256x1xf32>
      %div3A = vector.broadcast %max3A_39 : vector<256x1xf32> to vector<256x16xf32>
      %div3A_40 = arith.divf %get3A_34, %div3A : vector<256x16xf32>
      %get3A_41 = arith.constant 0 : index
      %get3A_42 = arith.constant 0 : index
      %get3A_43 = vector.load %arg4[%get3A_41, %get3A_42] : memref<16x64xf32, #tpu.memory_space<vmem>>, vector<16x64xf32>
      %dot_general3A_44 = arith.constant dense<0.000000e+00> : vector<256x64xf32>
      %dot_general3A_45 = tpu.matmul %div3A_40, %get3A_43, %dot_general3A_44 {dimension_numbers = #tpu.dot_dimension_numbers<[1], [0], [0], [1], [0, 0, 1, 1], [], []>, transpose_lhs_hint = false} : vector<256x16xf32>, vector<16x64xf32>, vector<256x64xf32> -> vector<256x64xf32>
      %get3A_46 = arith.constant 0 : index
      %get3A_47 = arith.constant 0 : index
      %get3A_48 = vector.load %arg5[%get3A_46, %get3A_47] : memref<1x64xf32, #tpu.memory_space<vmem>>, vector<1x64xf32>
      %add3A_49 = vector.broadcast %get3A_48 : vector<1x64xf32> to vector<256x64xf32>
      %add3A_50 = arith.addf %dot_general3A_45, %add3A_49 : vector<256x64xf32>
      %swap3A_51 = arith.constant 0 : index
      %swap3A_52 = arith.constant 0 : index
      %swap3A_53 = vector.load %arg7[%swap3A_51, %swap3A_52] : memref<256x64xf32, #tpu.memory_space<vmem>>, vector<256x64xf32>
      tpu.vector_store %arg7[%swap3A_51, %swap3A_52], %add3A_50 {strides = array<i32>} : memref<256x64xf32, #tpu.memory_space<vmem>>, vector<256x64xf32>,
    } else {
    }
    return
  }
  func.func @transform_0(%arg0: i32) -> (i32, i32) {
    %c0_i32 = arith.constant 0 : i32
    %c0_i32_0 = arith.constant 0 : i32
    return %arg0, %c0_i32 : i32, i32
  }
  func.func @transform_1(%arg0: i32) -> (i32, i32) {
    %c0_i32 = arith.constant 0 : i32
    %c0_i32_0 = arith.constant 0 : i32
    return %arg0, %c0_i32 : i32, i32
  }
  func.func @transform_2(%arg0: i32) -> (i32, i32, i32) {
    %c0_i32 = arith.constant 0 : i32
    %c0_i32_0 = arith.constant 0 : i32
    %c0_i32_1 = arith.constant 0 : i32
    return %arg0, %c0_i32, %c0_i32_0 : i32, i32, i32
  }
  func.func @transform_3(%arg0: i32) -> (i32, i32) {
    %c0_i32 = arith.constant 0 : i32
    %c0_i32_0 = arith.constant 0 : i32
    %c0_i32_1 = arith.constant 0 : i32
    return %c0_i32, %c0_i32_0 : i32, i32
  }
  func.func @transform_4(%arg0: i32) -> (i32, i32) {
    %c0_i32 = arith.constant 0 : i32
    %c0_i32_0 = arith.constant 0 : i32
    %c0_i32_1 = arith.constant 0 : i32
    return %c0_i32, %c0_i32_0 : i32, i32
  }
  func.func @transform_5(%arg0: i32) -> (i32, i32) {
    %c0_i32 = arith.constant 0 : i32
    %c0_i32_0 = arith.constant 0 : i32
    return %arg0, %c0_i32 : i32, i32
  }
  func.func @transform_6(%arg0: i32) -> (i32, i32) {
    %c0_i32 = arith.constant 0 : i32
    %c0_i32_0 = arith.constant 0 : i32
    %c0_i32_1 = arith.constant 0 : i32
    return %c0_i32, %c0_i32_0 : i32, i32
  }
}

</mosaic_0001>

<sc_bundles>
// kernel: kernel.14.cloned.1.call-start
scs
__scs_entry_jumppad:
0x0: {  	(pc) =	sbr.rel $0x88, $3  }
0x1: {  	(tag) =	ssettag $0x0;
	lr =	simm.s32 $0x1  }
0x2: {  	[smem:$0x3F8D] =	sst lr;
	_ =	strace $0xD0000000  }
0x3: {  	_ = 	snop  }
0x4: {  	_ = 	snop  }
0x5: {  	_ = 	snop  }
0x6: {  	_ = 	snop  }
0x7: {  	_ = 	snop  }
__scs_overlays_trampoline_lowered:
0x8: {  	[smem:$0x3F9C] =	sst s0  }
0x9: {  	[smem:$0x3F9D] =	sst s1  }
0xa: {  	[smem:$0x3F9E] =	sst s2  }
0xb: {  	[smem:$0x3F9F] =	sst s3  }
0xc: {  	[smem:$0x3FA0] =	sst s4  }
0xd: {  	[smem:$0x3FA1] =	sst s5  }
0xe: {  	[smem:$0x3FA2] =	sst s6  }
0xf: {  	[smem:$0x3FA3] =	sst s7  }
0x10: {  	[smem:$0x3FA4] =	sst s8  }
0x11: {  	[smem:$0x3FA5] =	sst s9;
	s0 =	simm.s32 @!p0 $0x0  }
0x12: {  	s1 =	sld [smem:$0x3F8B];
	s0 =	simm.s32 @p0 $0x1  }
0x13: {  	[smem:$0x3FA6] =	sst s0;
	s0 =	simm.s32 @!p1 $0x0  }
0x14: {  	s2 =	sld [smem:$0x3F8A];
	s0 =	simm.s32 @p1 $0x1  }
0x15: {  	[smem:$0x3FA7] =	sst s0;
	s0 =	simm.s32 @!p2 $0x0  }
0x16: {  	s3 =	sld [smem:$0x3FDB];
	s0 =	simm.s32 @p2 $0x1  }
0x17: {  	s4 =	simm.s32 $0x1BF5;
	[smem:$0x3FA9] =	sst s0  }
0x18: {  	s0 =	sld [smem:$0x3F8C];
	_ =	swait.ge [sflag:s4], $0x0  }
0x19: {  	s7 =	sld [smem:$0x3F8D]  }
0x1a: {  	s8 =	sadd.s32 $0xFFFFE003, lr  }
0x1b: {  	s9 =	sadd.s32 $0xFFFFFEF7, lr;
	s5 =	simm.s32 $0xFFFFFFFF;
	p2 =	slt.u32 s8, $0xFFFFF086  }
0x1c: {  	p1 =	slt.u32 s9, $0xF7A;
	s5 =	simm.s32 @!p2 $0x0  }
0x1d: {  	s5 =	simm.s32 @p1 $0x1;
	p0 =	seq.s32 s7, s2  }
0x1e: {  	s7 =	smul.u32 @!p0 $0xF7A, s2;
	p2 =	seq.s32 @!p0 s5, $0x0  }
0x1f: {  	s9 =	smul.u32 $0xF7A, s1;
	s8 =	simm.s32 @!p0 $0x1BF5;
	p2 =	por !p2, p0  }
0x20: {  	[sflag:s8] =	ssyncset.s32 @!p0 $0xFFFFF086;
	s6 =	sadd.s32 @!p0 s3, s7;
	s7 =	simm.s32 @!p0 $0x108  }
0x21: {  	s3 =	sadd.s32 s3, s9;
	s6 =	sadd.s32 @!p0 $0x88, s6;
	s7 =	simm.s32 @p2 $0x1082  }
0x22: {  	[simem:s7], [sflag:s8] =	dma.local @!p0 [hbm:s6], $0xF7A  }
0x23: {  	s9 =	sor.u32 $0xD0000000, s2;
	s6 =	simm.s32 $0x108;
	_ =	swait.ge @!p0 [sflag:s8], $0x0  }
0x24: {  	s3 =	sadd.s32 $0x88, s3;
	s6 =	simm.s32 @!p1 $0x1082;
	[sflag:s4] =	ssyncset.s32 $0xFFFFF086  }
0x25: {  	[simem:s6], [sflag:s4] =	dma.local [hbm:s3], $0xF7A  }
0x26: {  	[smem:$0x3F8D] =	sst s1;
	(tag) =	ssettag s2;
	_ =	strace s9  }
0x27: {  	s1 =	sld [smem:$0x3F9D]  }
0x28: {  	s2 =	sld [smem:$0x3F9E]  }
0x29: {  	s4 =	sld [smem:$0x3FA0]  }
0x2a: {  	p0 =	seq.s32 s5, $0x0;
	s5 =	sld [smem:$0x3FA1]  }
0x2b: {  	s6 =	sld [smem:$0x3FA2]  }
0x2c: {  	s7 =	sld [smem:$0x3FA3]  }
0x2d: {  	s3 =	simm.s32 $0x108;
	s8 =	sld [smem:$0x3FA4]  }
0x2e: {  	s3 =	simm.s32 @!p0 $0x1082;
	s9 =	sld [smem:$0x3FA5]  }
0x2f: {  	lr =	sadd.s32 s0, s3;
	s0 =	sld [smem:$0x3F9C]  }
0x30: {  	s3 =	sld [smem:$0x3F9F]  }
0x31: {  	[smem:$0x3FA8] =	sst s10  }
0x32: {  	s10 =	sld [smem:$0x3FA6];
	_ =	sdelay $0x3  }
0x33: {  	p0 =	seq.s32 s10, $0x1;
	s10 =	sld [smem:$0x3FA8];
	_ =	sdelay $0x3  }
0x34: {  	[smem:$0x3FA8] =	sst s10  }
0x35: {  	s10 =	sld [smem:$0x3FA7];
	_ =	sdelay $0x3  }
0x36: {  	p1 =	seq.s32 s10, $0x1;
	s10 =	sld [smem:$0x3FA8];
	_ =	sdelay $0x3  }
0x37: {  	[smem:$0x3FA8] =	sst s10  }
0x38: {  	s10 =	sld [smem:$0x3FA9]  }
0x39: {  	_ = 	snop;
	(pc) =	sbr.ind lr, $3  }
0x3a: {  	_ = 	snop  }
0x3b: {  	_ = 	snop  }
0x3c: {  	p2 =	seq.s32 s10, $0x1;
	s10 =	sld [smem:$0x3FA8]  }
0x3d: {  	_ =	shalt  }
0x3e: {  	_ =	shalt  }
0x3f: {  	_ =	shalt  }
0x40: {  	_ =	shalt  }
0x41: {  	_ =	shalt  }
0x42: {  	_ =	shalt  }
0x43: {  	_ =	shalt  }
0x44: {  	_ =	shalt  }
0x45: {  	_ =	shalt  }
0x46: {  	_ =	shalt  }
0x47: {  	_ =	shalt  }
0x48: {  	_ =	shalt  }
0x49: {  	_ =	shalt  }
0x4a: {  	_ =	shalt  }
0x4b: {  	_ =	shalt  }
0x4c: {  	_ =	shalt  }
0x4d: {  	_ =	shalt  }
0x4e: {  	_ =	shalt  }
0x4f: {  	_ =	shalt  }
0x50: {  	_ =	shalt  }
0x51: {  	_ =	shalt  }
0x52: {  	_ =	shalt  }
0x53: {  	_ =	shalt  }
0x54: {  	_ =	shalt  }
0x55: {  	_ =	shalt  }
0x56: {  	_ =	shalt  }
0x57: {  	_ =	shalt  }
0x58: {  	_ =	shalt  }
0x59: {  	_ =	shalt  }
0x5a: {  	_ =	shalt  }
0x5b: {  	_ =	shalt  }
0x5c: {  	_ =	shalt  }
0x5d: {  	_ =	shalt  }
0x5e: {  	_ =	shalt  }
0x5f: {  	_ =	shalt  }
0x60: {  	_ =	shalt  }
0x61: {  	_ =	shalt  }
0x62: {  	_ =	shalt  }
0x63: {  	_ =	shalt  }
0x64: {  	_ =	shalt  }
0x65: {  	_ =	shalt  }
0x66: {  	_ =	shalt  }
0x67: {  	_ =	shalt  }
0x68: {  	_ =	shalt  }
0x69: {  	_ =	shalt  }
0x6a: {  	_ =	shalt  }
0x6b: {  	_ =	shalt  }
0x6c: {  	_ =	shalt  }
0x6d: {  	_ =	shalt  }
0x6e: {  	_ =	shalt  }
0x6f: {  	_ =	shalt  }
0x70: {  	_ =	shalt  }
0x71: {  	_ =	shalt  }
0x72: {  	_ =	shalt  }
0x73: {  	_ =	shalt  }
0x74: {  	_ =	shalt  }
0x75: {  	_ =	shalt  }
0x76: {  	_ =	shalt  }
0x77: {  	_ =	shalt  }
0x78: {  	_ =	shalt  }
0x79: {  	_ =	shalt  }
0x7a: {  	_ =	shalt  }
0x7b: {  	_ =	shalt  }
0x7c: {  	_ =	shalt  }
0x7d: {  	_ =	shalt  }
0x7e: {  	_ =	shalt  }
0x7f: {  	_ =	shalt  }
0x80: {  	_ =	shalt  }
0x81: {  	_ =	shalt  }
0x82: {  	_ =	shalt  }
0x83: {  	_ =	shalt  }
0x84: {  	_ =	shalt  }
0x85: {  	_ =	shalt  }
0x86: {  	_ =	shalt  }
0x87: {  	_ =	shalt  }
.Lfunc_end0:
.L_simem_size_0:
called_computation_lowered:
.L_overlay_start_0:
0x88: {  	s2 =	sld [smem:$0x3FD9]  }
0x89: {  	s3 =	sld [smem:$0x3FFE];
	_ =	sdelay $0x1  }
0x8a: {  	s1 =	srdreg.scid  }
0x8b: {  	s0 =	sand.u32 $0x1, s1  }
0x8c: {  	s16 =	sshll.u32 s0, $0xA;
	s2 =	sadd.s32 s3, s2  }
0x8d: {  	s2 =	sadd.s32 s2, s16  }
0x8e: {  	[smem:$0x3FB4] =	sst s2  }
0x8f: {  	_ = 	snop  }
0x90: {  	(tm) =	ssettm $0x1  }
0x91: {  	s17 =	sld [smem:$0x3FFB];
	_ =	sdelay $0x3  }
0x92: {  	_ =	strace s17  }
0x93: {  	s2 =	sld [smem:$0x3FFC];
	_ =	sdelay $0x3  }
0x94: {  	_ =	strace s2  }
0x95: {  	s2 =	sld [smem:$0x3FFD];
	_ =	sdelay $0x3  }
0x96: {  	_ =	strace s2  }
0x97: {  	_ =	strace $0x8FFFFFFF  }
0x98: {  	s18 =	sld [smem:$0x3FDB];
	_ =	sdelay $0x1  }
0x99: {  	s19 =	simm.s32 $_scs_section_size  }
0x9a: {  	s4 =	simm.s32 $_size__tile_overlayer_lowered;
	s5 =	simm.s32 $_tile_overlayer_lowered  }
0x9b: {  	s22 =	simm.s32 $0x1BFF;
	s21 =	sshll.u32 s5, $0x1;
	s2 =	sadd.s32 s19, s18  }
0x9c: {  	s6 =	simm.s32 $0x0;
	s20 =	sshll.u32 s4, $0x1;
	s4 =	sadd.s32 s21, s2  }
0x9d: {  	[timem:s6], [sflag:s22] =	dma.local [hbm:s4], s20  }
0x9e: {  	_ =	swait.ge [sflag:s22], s20  }
0x9f: {  	s3 =	ssub.s32 $0x0, s20;
	[sflag:s22] =	ssyncset.done $0x0  }
0xa0: {  	[sflag:s22] =	ssyncadd.s32 s3;
	_ =	sdelay $0x1  }
0xa1: {  	s23 =	simm.s32 $0x1B8B  }
0xa2: {  	_ =	swait.ge [sflag:s23], $0x1  }
0xa3: {  	[sflag:s23] =	ssyncset.done $0x0  }
0xa4: {  	s25 =	simm.s32 $0x1B8E;
	s24 =	sld [smem:$0x3FFE];
	[sflag:s23] =	ssyncadd.s32 $0xFFFFFFFF  }
0xa5: {  	s26 =	simm.s32 $execute0_lowered;
	[smem:$0x3FD2] =	sst s25  }
0xa6: {  	s4 =	sshll.u32 s26, $0x1;
	_ =	strace $0x80000046;
	[dreg:$0x1] =	wrdreg $0xFFFFFFFF  }
0xa7: {  	s28 =	simm.s32 $_size_execute0_lowered;
	s2 =	sadd.s32 s2, s4;
	[dreg:$0x0] =	wrdreg $0x0  }
0xa8: {  	s4 =	sshll.u32 s28, $0x1;
	[dreg:$0x2] =	wrdreg s2  }
0xa9: {  	[dreg:$0x3] =	wrdreg s4  }
0xaa: {  	[dreg:$0x4] =	wrdreg $0xC0  }
0xab: {  	_ =	task [dreg:s6], $0x5FFFF  }
0xac: {  	[dreg:$0x1] =	wrdreg $0xFFFFFFFF  }
0xad: {  	[dreg:$0x0] =	wrdreg $0x60  }
0xae: {  	[dreg:$0x2] =	wrdreg s24  }
0xaf: {  	[dreg:$0x3] =	wrdreg $0x9  }
0xb0: {  	_ =	task.clear_ibuf [dreg:s6], $0x4FFFF;
	_ =	strace $0x90000046  }
0xb1: {  	s29 =	simm.s32 $0x9;
	_ =	strace $0x80000048  }
0xb2: {  	_ =	swait.ge [sflag:s29], $0x1  }
0xb3: {  	[sflag:s29] =	ssyncadd.s32 $0xFFFFFFFF  }
0xb4: {  	_ =	strace $0x90000048  }
0xb5: {  	_ =	sfence  }
0xb6: {  	s30 =	sld [smem:$0x0];
	_ =	sdelay $0x2  }
0xb7: {  	s31 =	sshll.u32 s1, $0xD;
	s1 =	sshrl.u32 s1, $0x2  }
0xb8: {  	s3 =	sand.u32 $0x4000, s31;
	s1 =	sadd.s32 s1, s30  }
0xb9: {  	s0 =	sor.u32 s3, s0;
	s1 =	sshll.u32 s1, $0x11  }
0xba: {  	s0 =	sor.u32 s1, s0  }
0xbb: {  	s0 =	sadd.s32 $0x8F2B, s0  }
0xbc: {  	[sflag:s0] =	ssyncadd.remote.s32 $0x1  }
0xbd: {  	_ =	sfence.sel $0xFFFF  }
0xbe: {  	[dreg:$0x0] =	wrdreg $0xFFFFFFFF;
	(pc) =	sbr.abs _section_cstart, $3  }
0xbf: {  	[dreg:$0x1] =	wrdreg $0xFFFFFFFF  }
0xc0: {  	_ =	task.clear_ibuf [dreg:s6], $0x2FFFF;
	_ =	strace $0x9FFFFFFF  }
0xc1: {  	(tm) =	ssettm $0x7FFFFFFF  }
tec
execute0_lowered:
.L_overlay_start_1:
0x0: {  	(tag) =	ssettag $0x1  }
0x1: {  	s1 =	srdreg.scid;
	s0 =	stileid.u32  }
0x2: {  	s3 =	sand.u32 $0x1, s1;
	s31 =	sshll.u32 s0, $0x1  }
0x3: {  	s4 =	rddreg [dreg:$0x0];
	s2 =	simm.s32 $0x0;
	s5 =	sor.u32 s3, s31  }
0x4: {  	s1 =	rddreg [dreg:$0x1];
	s6 =	ssub.s32 $0x2, s3;
	s5 =	smul.u32 $0x2710, s5  }
0x5: {  	[smem:$0x7FF] =	sst s2;
	s7 =	sshrl.u32 s6, $0x1  }
0x6: {  	_ =	strace $0x80000047;
	s6 =	ssub.s32 s6, s7;
	s5 =	sadd.s32 s5, s4  }
0x7: {  	s3 =	simm.s32 $0x1;
	s6 =	smax.u32 s6, $0x1;
	s4 =	sadd.s32 $0x277C00, s5  }
0x8: {  	[tilespmem:s2], [sflag:$0x1] =	stream.linear.gather [hbm4b:s4+s2], $0x13880, $0x38;
	[tilespmem:$0x13880] =	vst v63  }
0x9: {  	p0 =	sne.s32 s6, $0x1;
	_ =	swait.ge [sflag:s3], $0x13880  }
.Ltmp0:
0xa: {  	[sflag:s3] =	ssyncset.done $0x0;
	(pc) =	sbr.rel @!p0 .LBB2_2-.Ltmp0, $4  }
0xb: {  	s5 =	sadd.s32 $0x6C00, s5;
	[sflag:s3] =	ssyncadd.s32 $0xFFFEC780  }
0xc: {  	[hbm4b:s5+s2] =	stream.linear.scatter [tilespmem:s2], [sflag:$0x1], $0x13880, $0x38;
	[tilespmem:$0x13880] =	vst v63  }
0xd: {  	_ =	swait.ge [sflag:s3], $0x13880  }
0xe: {  	s6 =	sadd.s32 $0xFFFFFFFF, s6;
	[sflag:s3] =	ssyncset.done $0x0  }
.LBB2_1:
0xf: {  	p0 =	sne.s32 s6, $0x1;
	s6 =	sadd.s32 $0xFFFFFFFF, s6;
	[sflag:s3] =	ssyncadd.s32 $0xFFFEC780  }
0x10: {  	[tilespmem:s2], [sflag:$0x1] =	stream.linear.gather [hbm4b:s4+s2], $0x13880, $0x38;
	[tilespmem:$0x13880] =	vst v63  }
0x11: {  	_ =	swait.ge [sflag:s3], $0x13880  }
.Ltmp1:
0x12: {  	[sflag:s3] =	ssyncset.done $0x0;
	(pc) =	sbr.rel @p0 .LBB2_1-.Ltmp1, $4  }
0x13: {  	[sflag:s3] =	ssyncadd.s32 $0xFFFEC780  }
0x14: {  	[hbm4b:s5+s2] =	stream.linear.scatter [tilespmem:s2], [sflag:$0x1], $0x13880, $0x38;
	[tilespmem:$0x13880] =	vst v63  }
0x15: {  	_ =	swait.ge [sflag:s3], $0x13880  }
0x16: {  	[sflag:s3] =	ssyncset.done $0x0  }
.LBB2_2:
0x17: {  	[sflag:s3] =	ssyncadd.s32 $0xFFFEC780  }
0x18: {  	_ =	sfence.sel $0x180000  }
0x19: {  	[bflag:$0x0] =	sbarrier.arrive $0xFFFF  }
0x1a: {  	p0 =	sne.s32 s0, $0x0;
	_ =	strace $0x90000047  }
0x1b: {  	s0 =	sadd.s32 @!p0 $0x100000, s1;
	[bflag:$0x2] =	sbarrier.arrive $0xFFFF  }
0x1c: {  	[sflag:s0] =	ssyncadd.tile.s32 @!p0 $0x1;
	_ =	shalt  }
.Lfunc_end2:
_tile_overlayer_lowered:
.L_overlay_start_2:
0x1d: {  	(tag) =	ssettag $0x2  }
0x1e: {  	s0 =	rddreg [dreg:$0x0];
	s2 =	stileid.u32  }
0x1f: {  	s1 =	rddreg [dreg:$0x1];
	p0 =	sne.s32 s2, $0x0  }
0x20: {  	s3 =	rddreg [dreg:$0x2];
	[bflag:$0x3] =	sbarrier.arrive $0xFFFF;
	s2 =	simm.s32 @!p0 $0x1C01  }
0x21: {  	[timem:s3], [sflag:s2] =	dma.local @!p0 [hbm:s0], s1  }
0x22: {  	s0 =	simm.s32 @!p0 $0x1  }
0x23: {  	_ =	swait.ge @!p0 [sflag:s0], s1  }
0x24: {  	s1 =	ssub.s32 @!p0 $0x0, s1;
	[sflag:s0] =	ssyncset.done @!p0 $0x0  }
0x25: {  	[sflag:s0] =	ssyncadd.s32 @!p0 s1  }
0x26: {  	[bflag:$0x3] =	sbarrier.arrive $0xFFFF  }
0x27: {  	_ =	shalt  }

// kernel: kernel.17.cloned.1.call-start
scs
__scs_entry_jumppad:
0x0: {  	(pc) =	sbr.rel $0x88, $3  }
0x1: {  	(tag) =	ssettag $0x0;
	lr =	simm.s32 $0x1  }
0x2: {  	[smem:$0x3F8D] =	sst lr;
	_ =	strace $0xD0000000  }
0x3: {  	_ = 	snop  }
0x4: {  	_ = 	snop  }
0x5: {  	_ = 	snop  }
0x6: {  	_ = 	snop  }
0x7: {  	_ = 	snop  }
__scs_overlays_trampoline_lowered:
0x8: {  	[smem:$0x3F9C] =	sst s0  }
0x9: {  	[smem:$0x3F9D] =	sst s1  }
0xa: {  	[smem:$0x3F9E] =	sst s2  }
0xb: {  	[smem:$0x3F9F] =	sst s3  }
0xc: {  	[smem:$0x3FA0] =	sst s4  }
0xd: {  	[smem:$0x3FA1] =	sst s5  }
0xe: {  	[smem:$0x3FA2] =	sst s6  }
0xf: {  	[smem:$0x3FA3] =	sst s7  }
0x10: {  	[smem:$0x3FA4] =	sst s8  }
0x11: {  	[smem:$0x3FA5] =	sst s9;
	s0 =	simm.s32 @!p0 $0x0  }
0x12: {  	s1 =	sld [smem:$0x3F8B];
	s0 =	simm.s32 @p0 $0x1  }
0x13: {  	[smem:$0x3FA6] =	sst s0;
	s0 =	simm.s32 @!p1 $0x0  }
0x14: {  	s2 =	sld [smem:$0x3F8A];
	s0 =	simm.s32 @p1 $0x1  }
0x15: {  	[smem:$0x3FA7] =	sst s0;
	s0 =	simm.s32 @!p2 $0x0  }
0x16: {  	s3 =	sld [smem:$0x3FDB];
	s0 =	simm.s32 @p2 $0x1  }
0x17: {  	s4 =	simm.s32 $0x1BF5;
	[smem:$0x3FA9] =	sst s0  }
0x18: {  	s0 =	sld [smem:$0x3F8C];
	_ =	swait.ge [sflag:s4], $0x0  }
0x19: {  	s7 =	sld [smem:$0x3F8D]  }
0x1a: {  	s8 =	sadd.s32 $0xFFFFE003, lr  }
0x1b: {  	s9 =	sadd.s32 $0xFFFFFEF7, lr;
	s5 =	simm.s32 $0xFFFFFFFF;
	p2 =	slt.u32 s8, $0xFFFFF086  }
0x1c: {  	p1 =	slt.u32 s9, $0xF7A;
	s5 =	simm.s32 @!p2 $0x0  }
0x1d: {  	s5 =	simm.s32 @p1 $0x1;
	p0 =	seq.s32 s7, s2  }
0x1e: {  	s7 =	smul.u32 @!p0 $0xF7A, s2;
	p2 =	seq.s32 @!p0 s5, $0x0  }
0x1f: {  	s9 =	smul.u32 $0xF7A, s1;
	s8 =	simm.s32 @!p0 $0x1BF5;
	p2 =	por !p2, p0  }
0x20: {  	[sflag:s8] =	ssyncset.s32 @!p0 $0xFFFFF086;
	s6 =	sadd.s32 @!p0 s3, s7;
	s7 =	simm.s32 @!p0 $0x108  }
0x21: {  	s3 =	sadd.s32 s3, s9;
	s6 =	sadd.s32 @!p0 $0x88, s6;
	s7 =	simm.s32 @p2 $0x1082  }
0x22: {  	[simem:s7], [sflag:s8] =	dma.local @!p0 [hbm:s6], $0xF7A  }
0x23: {  	s9 =	sor.u32 $0xD0000000, s2;
	s6 =	simm.s32 $0x108;
	_ =	swait.ge @!p0 [sflag:s8], $0x0  }
0x24: {  	s3 =	sadd.s32 $0x88, s3;
	s6 =	simm.s32 @!p1 $0x1082;
	[sflag:s4] =	ssyncset.s32 $0xFFFFF086  }
0x25: {  	[simem:s6], [sflag:s4] =	dma.local [hbm:s3], $0xF7A  }
0x26: {  	[smem:$0x3F8D] =	sst s1;
	(tag) =	ssettag s2;
	_ =	strace s9  }
0x27: {  	s1 =	sld [smem:$0x3F9D]  }
0x28: {  	s2 =	sld [smem:$0x3F9E]  }
0x29: {  	s4 =	sld [smem:$0x3FA0]  }
0x2a: {  	p0 =	seq.s32 s5, $0x0;
	s5 =	sld [smem:$0x3FA1]  }
0x2b: {  	s6 =	sld [smem:$0x3FA2]  }
0x2c: {  	s7 =	sld [smem:$0x3FA3]  }
0x2d: {  	s3 =	simm.s32 $0x108;
	s8 =	sld [smem:$0x3FA4]  }
0x2e: {  	s3 =	simm.s32 @!p0 $0x1082;
	s9 =	sld [smem:$0x3FA5]  }
0x2f: {  	lr =	sadd.s32 s0, s3;
	s0 =	sld [smem:$0x3F9C]  }
0x30: {  	s3 =	sld [smem:$0x3F9F]  }
0x31: {  	[smem:$0x3FA8] =	sst s10  }
0x32: {  	s10 =	sld [smem:$0x3FA6];
	_ =	sdelay $0x3  }
0x33: {  	p0 =	seq.s32 s10, $0x1;
	s10 =	sld [smem:$0x3FA8];
	_ =	sdelay $0x3  }
0x34: {  	[smem:$0x3FA8] =	sst s10  }
0x35: {  	s10 =	sld [smem:$0x3FA7];
	_ =	sdelay $0x3  }
0x36: {  	p1 =	seq.s32 s10, $0x1;
	s10 =	sld [smem:$0x3FA8];
	_ =	sdelay $0x3  }
0x37: {  	[smem:$0x3FA8] =	sst s10  }
0x38: {  	s10 =	sld [smem:$0x3FA9]  }
0x39: {  	_ = 	snop;
	(pc) =	sbr.ind lr, $3  }
0x3a: {  	_ = 	snop  }
0x3b: {  	_ = 	snop  }
0x3c: {  	p2 =	seq.s32 s10, $0x1;
	s10 =	sld [smem:$0x3FA8]  }
0x3d: {  	_ =	shalt  }
0x3e: {  	_ =	shalt  }
0x3f: {  	_ =	shalt  }
0x40: {  	_ =	shalt  }
0x41: {  	_ =	shalt  }
0x42: {  	_ =	shalt  }
0x43: {  	_ =	shalt  }
0x44: {  	_ =	shalt  }
0x45: {  	_ =	shalt  }
0x46: {  	_ =	shalt  }
0x47: {  	_ =	shalt  }
0x48: {  	_ =	shalt  }
0x49: {  	_ =	shalt  }
0x4a: {  	_ =	shalt  }
0x4b: {  	_ =	shalt  }
0x4c: {  	_ =	shalt  }
0x4d: {  	_ =	shalt  }
0x4e: {  	_ =	shalt  }
0x4f: {  	_ =	shalt  }
0x50: {  	_ =	shalt  }
0x51: {  	_ =	shalt  }
0x52: {  	_ =	shalt  }
0x53: {  	_ =	shalt  }
0x54: {  	_ =	shalt  }
0x55: {  	_ =	shalt  }
0x56: {  	_ =	shalt  }
0x57: {  	_ =	shalt  }
0x58: {  	_ =	shalt  }
0x59: {  	_ =	shalt  }
0x5a: {  	_ =	shalt  }
0x5b: {  	_ =	shalt  }
0x5c: {  	_ =	shalt  }
0x5d: {  	_ =	shalt  }
0x5e: {  	_ =	shalt  }
0x5f: {  	_ =	shalt  }
0x60: {  	_ =	shalt  }
0x61: {  	_ =	shalt  }
0x62: {  	_ =	shalt  }
0x63: {  	_ =	shalt  }
0x64: {  	_ =	shalt  }
0x65: {  	_ =	shalt  }
0x66: {  	_ =	shalt  }
0x67: {  	_ =	shalt  }
0x68: {  	_ =	shalt  }
0x69: {  	_ =	shalt  }
0x6a: {  	_ =	shalt  }
0x6b: {  	_ =	shalt  }
0x6c: {  	_ =	shalt  }
0x6d: {  	_ =	shalt  }
0x6e: {  	_ =	shalt  }
0x6f: {  	_ =	shalt  }
0x70: {  	_ =	shalt  }
0x71: {  	_ =	shalt  }
0x72: {  	_ =	shalt  }
0x73: {  	_ =	shalt  }
0x74: {  	_ =	shalt  }
0x75: {  	_ =	shalt  }
0x76: {  	_ =	shalt  }
0x77: {  	_ =	shalt  }
0x78: {  	_ =	shalt  }
0x79: {  	_ =	shalt  }
0x7a: {  	_ =	shalt  }
0x7b: {  	_ =	shalt  }
0x7c: {  	_ =	shalt  }
0x7d: {  	_ =	shalt  }
0x7e: {  	_ =	shalt  }
0x7f: {  	_ =	shalt  }
0x80: {  	_ =	shalt  }
0x81: {  	_ =	shalt  }
0x82: {  	_ =	shalt  }
0x83: {  	_ =	shalt  }
0x84: {  	_ =	shalt  }
0x85: {  	_ =	shalt  }
0x86: {  	_ =	shalt  }
0x87: {  	_ =	shalt  }
.Lfunc_end0:
.L_simem_size_0:
called_computation.1_lowered:
.L_overlay_start_0:
0x88: {  	s2 =	sld [smem:$0x3FD9]  }
0x89: {  	s3 =	sld [smem:$0x3FFE];
	_ =	sdelay $0x1  }
0x8a: {  	s1 =	srdreg.scid  }
0x8b: {  	s0 =	sand.u32 $0x1, s1  }
0x8c: {  	s15 =	sshll.u32 s0, $0xA;
	s2 =	sadd.s32 s3, s2  }
0x8d: {  	s2 =	sadd.s32 s2, s15  }
0x8e: {  	[smem:$0x3FB4] =	sst s2  }
0x8f: {  	_ = 	snop  }
0x90: {  	s2 =	sld [smem:$0x3FD0];
	_ =	sdelay $0x2  }
0x91: {  	s16 =	simm.s32 $0xB;
	s4 =	simm.s32 $0x10  }
0x92: {  	[smem:s4], [sflag:s16] =	dma.local [hbm:s2], $0x1  }
0x93: {  	_ =	swait.eq [sflag:s16], $0x1  }
0x94: {  	[sflag:s16] =	ssyncset.done $0x0  }
0x95: {  	[sflag:s16] =	ssyncadd.s32 $0xFFFFFFFF  }
0x96: {  	s17 =	sld [smem:$0x11];
	(tm) =	ssettm $0x1  }
0x97: {  	s18 =	sld [smem:$0x3FFB];
	_ =	sdelay $0x3  }
0x98: {  	_ =	strace s18  }
0x99: {  	s2 =	sld [smem:$0x3FFC];
	_ =	sdelay $0x3  }
0x9a: {  	_ =	strace s2  }
0x9b: {  	s2 =	sld [smem:$0x3FFD];
	_ =	sdelay $0x3  }
0x9c: {  	_ =	strace s2  }
0x9d: {  	_ =	strace $0x8FFFFFFF  }
0x9e: {  	s19 =	sld [smem:$0x3FDB];
	_ =	sdelay $0x1  }
0x9f: {  	s20 =	simm.s32 $_scs_section_size  }
0xa0: {  	s5 =	simm.s32 $_size__tile_overlayer_lowered;
	s6 =	simm.s32 $_tile_overlayer_lowered  }
0xa1: {  	s7 =	simm.s32 $0x1BFF;
	s21 =	sshll.u32 s6, $0x1;
	s4 =	sadd.s32 s20, s19  }
0xa2: {  	s22 =	simm.s32 $0x0;
	s5 =	sshll.u32 s5, $0x1;
	s6 =	sadd.s32 s21, s4  }
0xa3: {  	[timem:s22], [sflag:s7] =	dma.local [hbm:s6], s5  }
0xa4: {  	_ =	swait.ge [sflag:s7], s5  }
0xa5: {  	s5 =	ssub.s32 $0x0, s5;
	[sflag:s7] =	ssyncset.done $0x0  }
0xa6: {  	[sflag:s7] =	ssyncadd.s32 s5;
	_ =	sdelay $0x1  }
0xa7: {  	s23 =	simm.s32 $0x1B8B  }
0xa8: {  	_ =	swait.ge [sflag:s23], $0x1  }
0xa9: {  	[sflag:s23] =	ssyncset.done $0x0  }
0xaa: {  	[sflag:s23] =	ssyncadd.s32 $0xFFFFFFFF  }
0xab: {  	s5 =	sld [smem:$0x0]  }
0xac: {  	s6 =	sand.u32 $0xFFFFFFFE, s1  }
0xad: {  	p0 =	sne.s32 s1, s6  }
0xae: {  	s6 =	sshll.u32 @p0 s6, $0xE  }
0xaf: {  	s6 =	sadd.s32 @p0 $0x11B8D, s6;
	s7 =	sshll.u32 @p0 s5, $0x11  }
0xb0: {  	s6 =	sor.u32 @p0 s7, s6  }
0xb1: {  	[sflag:s6] =	ssyncadd.remote.s32 @p0 $0x1;
	_ =	sdelay $0x1  }
0xb2: {  	s6 =	simm.s32 @p0 $0x1B8D  }
0xb3: {  	_ =	swait.eq @p0 [sflag:s6], $0x1  }
0xb4: {  	[sflag:s6] =	ssyncadd.s32 @p0 $0xFFFFFFFF  }
0xb5: {  	s7 =	sshll.u32 @!p0 s1, $0xE  }
0xb6: {  	s7 =	sor.u32 @!p0 $0x4000, s7;
	s6 =	simm.s32 @!p0 $0x1B8D  }
0xb7: {  	s5 =	sshll.u32 @!p0 s5, $0x11;
	s7 =	sadd.s32 @!p0 $0x11B8D, s7;
	_ =	swait.eq @!p0 [sflag:s6], $0x1  }
0xb8: {  	s5 =	sor.u32 @!p0 s5, s7;
	[sflag:s6] =	ssyncadd.s32 @!p0 $0xFFFFFFFF  }
0xb9: {  	s25 =	simm.s32 $0x1B8E;
	s24 =	sld [smem:$0x3FFE];
	[sflag:s5] =	ssyncadd.remote.s32 @!p0 $0x1  }
0xba: {  	s26 =	simm.s32 $execute0_lowered;
	[smem:$0x3FD2] =	sst s25  }
0xbb: {  	s6 =	sshll.u32 s26, $0x1;
	_ =	strace $0x80000049;
	[dreg:$0x1] =	wrdreg $0xFFFFFFFF  }
0xbc: {  	s28 =	simm.s32 $_size_execute0_lowered;
	s4 =	sadd.s32 s4, s6;
	[dreg:$0x0] =	wrdreg $0x0  }
0xbd: {  	s6 =	sshll.u32 s28, $0x1;
	[dreg:$0x2] =	wrdreg s4  }
0xbe: {  	[dreg:$0x3] =	wrdreg s6  }
0xbf: {  	[dreg:$0x4] =	wrdreg $0xC0  }
0xc0: {  	_ =	task [dreg:s22], $0x5FFFF  }
0xc1: {  	[dreg:$0x1] =	wrdreg $0xFFFFFFFF  }
0xc2: {  	[dreg:$0x0] =	wrdreg $0x60  }
0xc3: {  	[dreg:$0x2] =	wrdreg s17  }
0xc4: {  	[dreg:$0x3] =	wrdreg s24  }
0xc5: {  	[dreg:$0x4] =	wrdreg $0x154000  }
0xc6: {  	[dreg:$0x5] =	wrdreg $0xA  }
0xc7: {  	_ =	task.clear_ibuf [dreg:s22], $0x6FFFF;
	_ =	strace $0x90000049  }
0xc8: {  	s29 =	simm.s32 $0xA;
	_ =	strace $0x8000004B  }
0xc9: {  	_ =	swait.ge [sflag:s29], $0x1  }
0xca: {  	[sflag:s29] =	ssyncadd.s32 $0xFFFFFFFF  }
0xcb: {  	_ =	strace $0x9000004B  }
0xcc: {  	_ =	sfence  }
0xcd: {  	s30 =	sld [smem:$0x0];
	_ =	sdelay $0x2  }
0xce: {  	s31 =	sshll.u32 s1, $0xD;
	s1 =	sshrl.u32 s1, $0x2  }
0xcf: {  	s4 =	sand.u32 $0x4000, s31;
	s1 =	sadd.s32 s1, s30  }
0xd0: {  	s0 =	sor.u32 s4, s0;
	s1 =	sshll.u32 s1, $0x11  }
0xd1: {  	s0 =	sor.u32 s1, s0  }
0xd2: {  	s0 =	sadd.s32 $0x8F2B, s0  }
0xd3: {  	[sflag:s0] =	ssyncadd.remote.s32 $0x1  }
0xd4: {  	_ =	sfence.sel $0xFFFF  }
0xd5: {  	[dreg:$0x0] =	wrdreg $0xFFFFFFFF;
	(pc) =	sbr.abs _section_cstart, $3  }
0xd6: {  	[dreg:$0x1] =	wrdreg $0xFFFFFFFF  }
0xd7: {  	_ =	task.clear_ibuf [dreg:s22], $0x2FFFF;
	_ =	strace $0x9FFFFFFF  }
0xd8: {  	(tm) =	ssettm $0x7FFFFFFF  }
0xd9: {  	_ =	shalt  }
tec
execute0_lowered:
.L_overlay_start_1:
0x0: {  	(tag) =	ssettag $0x1  }
0x1: {  	s4 =	rddreg [dreg:$0x0]  }
0x2: {  	s11 =	rddreg [dreg:$0x1]  }
0x3: {  	s2 =	rddreg [dreg:$0x2]  }
0x4: {  	s0 =	rddreg [dreg:$0x3]  }
0x5: {  	s5 =	srdreg.scid;
	s1 =	stileid.u32  }
0x6: {  	s3 =	simm.s32 $0x0;
	s9 =	sand.u32 $0x1, s5;
	s28 =	sshll.u32 s1, $0x1  }
0x7: {  	s6 =	smul.u32 $0x2710, s1;
	[smem:$0x7FF] =	sst s3;
	s30 =	sshll.u32 s1, $0x6  }
0x8: {  	s10 =	sor.u32 s9, s28;
	_ =	strace $0x8000004A;
	s5 =	sor.u32 $0x1C02, s30  }
0x9: {  	s8 =	smul.u32 $0x280, s10;
	s29 =	sshrl.u32 s6, $0x3;
	s6 =	sadd.s32 s6, s2  }
0xa: {  	s4 =	sadd.s32 s4, s29;
	s7 =	sshrl.u32 s6, $0x3;
	s6 =	simm.s32 $0x2  }
0xb: {  	[spmem:s7], [sflag:s5] =	dma.local [hbm:s4], $0x4E2  }
0xc: {  	_ =	swait.ge [sflag:s6], $0x4E2  }
0xd: {  	s8 =	sadd.s32 s8, s11;
	[sflag:s6] =	ssyncset.done $0x0  }
0xe: {  	s8 =	sadd.s32 $0x56C00, s8;
	[sflag:s6] =	ssyncadd.s32 $0xFFFFFB1E  }
0xf: {  	[tilespmem:s3], [sflag:$0x2] =	stream.linear.gather [hbm4b:s8+s3], $0x1400, $0x38;
	[tilespmem:$0x17B10] =	vst v63  }
0x10: {  	s13 =	ssub.s32 $0x2, s9;
	s9 =	simm.s32 $0x1400;
	_ =	swait.ge [sflag:s6], $0x1400  }
0x11: {  	s12 =	smul.u32 $0x2800, s10;
	s14 =	sshrl.u32 s13, $0x1;
	[sflag:s6] =	ssyncset.done $0x0  }
0x12: {  	s10 =	simm.s32 $0x1;
	s31 =	ssub.s32 s13, s14;
	[sflag:s6] =	ssyncadd.s32 $0xFFFFEC00  }
0x13: {  	s11 =	sadd.s32 s12, s11;
	s12 =	smax.u32 s31, $0x1;
	[bflag:$0x0] =	sbarrier.arrive $0xFFFF  }
0x14: {  	[tilespmem:s9], [sflag:$0x1] =	stream.indirect.gather [spmem:s2], $0x10, s3, s9, $0xb8;
	[tilespmem:$0x17B10] =	vst v63  }
0x15: {  	p0 =	sne.s32 s12, $0x1;
	_ =	swait.ge [sflag:s10], $0x14000  }
.Ltmp0:
0x16: {  	[sflag:s10] =	ssyncset.done $0x0;
	(pc) =	sbr.rel @!p0 .LBB2_2-.Ltmp0, $4  }
0x17: {  	s11 =	sadd.s32 $0x5BC00, s11;
	[sflag:s10] =	ssyncadd.s32 $0xFFFEC000  }
0x18: {  	[hbm4b:s11+s3] =	stream.linear.scatter [tilespmem:s9], [sflag:$0x2], $0x14000, $0x38;
	[tilespmem:$0x17B10] =	vst v63  }
0x19: {  	_ =	swait.ge [sflag:s6], $0x14000  }
0x1a: {  	s12 =	sadd.s32 $0xFFFFFFFF, s12;
	[sflag:s6] =	ssyncset.done $0x0  }
.LBB2_1:
0x1b: {  	p0 =	sne.s32 s12, $0x1;
	s12 =	sadd.s32 $0xFFFFFFFF, s12;
	[sflag:s6] =	ssyncadd.s32 $0xFFFEC000  }
0x1c: {  	[spmem:s7], [sflag:s5] =	dma.local [hbm:s4], $0x4E2  }
0x1d: {  	_ =	swait.ge [sflag:s6], $0x4E2  }
0x1e: {  	[sflag:s6] =	ssyncset.done $0x0  }
0x1f: {  	[sflag:s6] =	ssyncadd.s32 $0xFFFFFB1E  }
0x20: {  	[tilespmem:s3], [sflag:$0x2] =	stream.linear.gather [hbm4b:s8+s3], $0x1400, $0x38;
	[tilespmem:$0x17B10] =	vst v63  }
0x21: {  	_ =	swait.ge [sflag:s6], $0x1400  }
0x22: {  	[sflag:s6] =	ssyncset.done $0x0  }
0x23: {  	[sflag:s6] =	ssyncadd.s32 $0xFFFFEC00  }
0x24: {  	[bflag:$0x0] =	sbarrier.arrive $0xFFFF  }
0x25: {  	[tilespmem:s9], [sflag:$0x1] =	stream.indirect.gather [spmem:s2], $0x10, s3, s9, $0xb8;
	[tilespmem:$0x17B10] =	vst v63  }
0x26: {  	_ =	swait.ge [sflag:s10], $0x14000  }
.Ltmp1:
0x27: {  	[sflag:s10] =	ssyncset.done $0x0;
	(pc) =	sbr.rel @p0 .LBB2_1-.Ltmp1, $4  }
0x28: {  	[sflag:s10] =	ssyncadd.s32 $0xFFFEC000  }
0x29: {  	[hbm4b:s11+s3] =	stream.linear.scatter [tilespmem:s9], [sflag:$0x2], $0x14000, $0x38;
	[tilespmem:$0x17B10] =	vst v63  }
0x2a: {  	_ =	swait.ge [sflag:s6], $0x14000  }
0x2b: {  	[sflag:s6] =	ssyncset.done $0x0  }
.LBB2_2:
0x2c: {  	[sflag:s6] =	ssyncadd.s32 $0xFFFEC000  }
0x2d: {  	_ =	sfence.sel $0x180000  }
0x2e: {  	[bflag:$0x0] =	sbarrier.arrive $0xFFFF  }
0x2f: {  	p0 =	sne.s32 s1, $0x0;
	_ =	strace $0x9000004A  }
0x30: {  	s0 =	sadd.s32 @!p0 $0x100000, s0;
	[bflag:$0x2] =	sbarrier.arrive $0xFFFF  }
0x31: {  	[sflag:s0] =	ssyncadd.tile.s32 @!p0 $0x1;
	_ =	shalt  }
.Lfunc_end2:
_tile_overlayer_lowered:
.L_overlay_start_2:
0x32: {  	(tag) =	ssettag $0x2  }
0x33: {  	s0 =	rddreg [dreg:$0x0];
	s2 =	stileid.u32  }
0x34: {  	s1 =	rddreg [dreg:$0x1];
	p0 =	sne.s32 s2, $0x0  }
0x35: {  	s3 =	rddreg [dreg:$0x2];
	[bflag:$0x3] =	sbarrier.arrive $0xFFFF;
	s2 =	simm.s32 @!p0 $0x1C02  }
0x36: {  	[timem:s3], [sflag:s2] =	dma.local @!p0 [hbm:s0], s1  }
0x37: {  	s0 =	simm.s32 @!p0 $0x2  }
0x38: {  	_ =	swait.ge @!p0 [sflag:s0], s1  }
0x39: {  	s1 =	ssub.s32 @!p0 $0x0, s1;
	[sflag:s0] =	ssyncset.done @!p0 $0x0  }
0x3a: {  	[sflag:s0] =	ssyncadd.s32 @!p0 s1  }
0x3b: {  	[bflag:$0x3] =	sbarrier.arrive $0xFFFF  }
0x3c: {  	_ =	shalt  }

// kernel: kernel.20.cloned.1.call-start
scs
__scs_entry_jumppad:
0x0: {  	(pc) =	sbr.rel $0x88, $3  }
0x1: {  	(tag) =	ssettag $0x0;
	lr =	simm.s32 $0x1  }
0x2: {  	[smem:$0x3F8D] =	sst lr;
	_ =	strace $0xD0000000  }
0x3: {  	_ = 	snop  }
0x4: {  	_ = 	snop  }
0x5: {  	_ = 	snop  }
0x6: {  	_ = 	snop  }
0x7: {  	_ = 	snop  }
__scs_overlays_trampoline_lowered:
0x8: {  	[smem:$0x3F9C] =	sst s0  }
0x9: {  	[smem:$0x3F9D] =	sst s1  }
0xa: {  	[smem:$0x3F9E] =	sst s2  }
0xb: {  	[smem:$0x3F9F] =	sst s3  }
0xc: {  	[smem:$0x3FA0] =	sst s4  }
0xd: {  	[smem:$0x3FA1] =	sst s5  }
0xe: {  	[smem:$0x3FA2] =	sst s6  }
0xf: {  	[smem:$0x3FA3] =	sst s7  }
0x10: {  	[smem:$0x3FA4] =	sst s8  }
0x11: {  	[smem:$0x3FA5] =	sst s9;
	s0 =	simm.s32 @!p0 $0x0  }
0x12: {  	s1 =	sld [smem:$0x3F8B];
	s0 =	simm.s32 @p0 $0x1  }
0x13: {  	[smem:$0x3FA6] =	sst s0;
	s0 =	simm.s32 @!p1 $0x0  }
0x14: {  	s2 =	sld [smem:$0x3F8A];
	s0 =	simm.s32 @p1 $0x1  }
0x15: {  	[smem:$0x3FA7] =	sst s0;
	s0 =	simm.s32 @!p2 $0x0  }
0x16: {  	s3 =	sld [smem:$0x3FDB];
	s0 =	simm.s32 @p2 $0x1  }
0x17: {  	s4 =	simm.s32 $0x1BF5;
	[smem:$0x3FA9] =	sst s0  }
0x18: {  	s0 =	sld [smem:$0x3F8C];
	_ =	swait.ge [sflag:s4], $0x0  }
0x19: {  	s7 =	sld [smem:$0x3F8D]  }
0x1a: {  	s8 =	sadd.s32 $0xFFFFE003, lr  }
0x1b: {  	s9 =	sadd.s32 $0xFFFFFEF7, lr;
	s5 =	simm.s32 $0xFFFFFFFF;
	p2 =	slt.u32 s8, $0xFFFFF086  }
0x1c: {  	p1 =	slt.u32 s9, $0xF7A;
	s5 =	simm.s32 @!p2 $0x0  }
0x1d: {  	s5 =	simm.s32 @p1 $0x1;
	p0 =	seq.s32 s7, s2  }
0x1e: {  	s7 =	smul.u32 @!p0 $0xF7A, s2;
	p2 =	seq.s32 @!p0 s5, $0x0  }
0x1f: {  	s9 =	smul.u32 $0xF7A, s1;
	s8 =	simm.s32 @!p0 $0x1BF5;
	p2 =	por !p2, p0  }
0x20: {  	[sflag:s8] =	ssyncset.s32 @!p0 $0xFFFFF086;
	s6 =	sadd.s32 @!p0 s3, s7;
	s7 =	simm.s32 @!p0 $0x108  }
0x21: {  	s3 =	sadd.s32 s3, s9;
	s6 =	sadd.s32 @!p0 $0x88, s6;
	s7 =	simm.s32 @p2 $0x1082  }
0x22: {  	[simem:s7], [sflag:s8] =	dma.local @!p0 [hbm:s6], $0xF7A  }
0x23: {  	s9 =	sor.u32 $0xD0000000, s2;
	s6 =	simm.s32 $0x108;
	_ =	swait.ge @!p0 [sflag:s8], $0x0  }
0x24: {  	s3 =	sadd.s32 $0x88, s3;
	s6 =	simm.s32 @!p1 $0x1082;
	[sflag:s4] =	ssyncset.s32 $0xFFFFF086  }
0x25: {  	[simem:s6], [sflag:s4] =	dma.local [hbm:s3], $0xF7A  }
0x26: {  	[smem:$0x3F8D] =	sst s1;
	(tag) =	ssettag s2;
	_ =	strace s9  }
0x27: {  	s1 =	sld [smem:$0x3F9D]  }
0x28: {  	s2 =	sld [smem:$0x3F9E]  }
0x29: {  	s4 =	sld [smem:$0x3FA0]  }
0x2a: {  	p0 =	seq.s32 s5, $0x0;
	s5 =	sld [smem:$0x3FA1]  }
0x2b: {  	s6 =	sld [smem:$0x3FA2]  }
0x2c: {  	s7 =	sld [smem:$0x3FA3]  }
0x2d: {  	s3 =	simm.s32 $0x108;
	s8 =	sld [smem:$0x3FA4]  }
0x2e: {  	s3 =	simm.s32 @!p0 $0x1082;
	s9 =	sld [smem:$0x3FA5]  }
0x2f: {  	lr =	sadd.s32 s0, s3;
	s0 =	sld [smem:$0x3F9C]  }
0x30: {  	s3 =	sld [smem:$0x3F9F]  }
0x31: {  	[smem:$0x3FA8] =	sst s10  }
0x32: {  	s10 =	sld [smem:$0x3FA6];
	_ =	sdelay $0x3  }
0x33: {  	p0 =	seq.s32 s10, $0x1;
	s10 =	sld [smem:$0x3FA8];
	_ =	sdelay $0x3  }
0x34: {  	[smem:$0x3FA8] =	sst s10  }
0x35: {  	s10 =	sld [smem:$0x3FA7];
	_ =	sdelay $0x3  }
0x36: {  	p1 =	seq.s32 s10, $0x1;
	s10 =	sld [smem:$0x3FA8];
	_ =	sdelay $0x3  }
0x37: {  	[smem:$0x3FA8] =	sst s10  }
0x38: {  	s10 =	sld [smem:$0x3FA9]  }
0x39: {  	_ = 	snop;
	(pc) =	sbr.ind lr, $3  }
0x3a: {  	_ = 	snop  }
0x3b: {  	_ = 	snop  }
0x3c: {  	p2 =	seq.s32 s10, $0x1;
	s10 =	sld [smem:$0x3FA8]  }
0x3d: {  	_ =	shalt  }
0x3e: {  	_ =	shalt  }
0x3f: {  	_ =	shalt  }
0x40: {  	_ =	shalt  }
0x41: {  	_ =	shalt  }
0x42: {  	_ =	shalt  }
0x43: {  	_ =	shalt  }
0x44: {  	_ =	shalt  }
0x45: {  	_ =	shalt  }
0x46: {  	_ =	shalt  }
0x47: {  	_ =	shalt  }
0x48: {  	_ =	shalt  }
0x49: {  	_ =	shalt  }
0x4a: {  	_ =	shalt  }
0x4b: {  	_ =	shalt  }
0x4c: {  	_ =	shalt  }
0x4d: {  	_ =	shalt  }
0x4e: {  	_ =	shalt  }
0x4f: {  	_ =	shalt  }
0x50: {  	_ =	shalt  }
0x51: {  	_ =	shalt  }
0x52: {  	_ =	shalt  }
0x53: {  	_ =	shalt  }
0x54: {  	_ =	shalt  }
0x55: {  	_ =	shalt  }
0x56: {  	_ =	shalt  }
0x57: {  	_ =	shalt  }
0x58: {  	_ =	shalt  }
0x59: {  	_ =	shalt  }
0x5a: {  	_ =	shalt  }
0x5b: {  	_ =	shalt  }
0x5c: {  	_ =	shalt  }
0x5d: {  	_ =	shalt  }
0x5e: {  	_ =	shalt  }
0x5f: {  	_ =	shalt  }
0x60: {  	_ =	shalt  }
0x61: {  	_ =	shalt  }
0x62: {  	_ =	shalt  }
0x63: {  	_ =	shalt  }
0x64: {  	_ =	shalt  }
0x65: {  	_ =	shalt  }
0x66: {  	_ =	shalt  }
0x67: {  	_ =	shalt  }
0x68: {  	_ =	shalt  }
0x69: {  	_ =	shalt  }
0x6a: {  	_ =	shalt  }
0x6b: {  	_ =	shalt  }
0x6c: {  	_ =	shalt  }
0x6d: {  	_ =	shalt  }
0x6e: {  	_ =	shalt  }
0x6f: {  	_ =	shalt  }
0x70: {  	_ =	shalt  }
0x71: {  	_ =	shalt  }
0x72: {  	_ =	shalt  }
0x73: {  	_ =	shalt  }
0x74: {  	_ =	shalt  }
0x75: {  	_ =	shalt  }
0x76: {  	_ =	shalt  }
0x77: {  	_ =	shalt  }
0x78: {  	_ =	shalt  }
0x79: {  	_ =	shalt  }
0x7a: {  	_ =	shalt  }
0x7b: {  	_ =	shalt  }
0x7c: {  	_ =	shalt  }
0x7d: {  	_ =	shalt  }
0x7e: {  	_ =	shalt  }
0x7f: {  	_ =	shalt  }
0x80: {  	_ =	shalt  }
0x81: {  	_ =	shalt  }
0x82: {  	_ =	shalt  }
0x83: {  	_ =	shalt  }
0x84: {  	_ =	shalt  }
0x85: {  	_ =	shalt  }
0x86: {  	_ =	shalt  }
0x87: {  	_ =	shalt  }
.Lfunc_end0:
.L_simem_size_0:
called_computation.2_lowered:
.L_overlay_start_0:
0x88: {  	s2 =	sld [smem:$0x3FD9]  }
0x89: {  	s3 =	sld [smem:$0x3FFE];
	_ =	sdelay $0x1  }
0x8a: {  	s1 =	srdreg.scid  }
0x8b: {  	s0 =	sand.u32 $0x1, s1  }
0x8c: {  	s16 =	sshll.u32 s0, $0xA;
	s2 =	sadd.s32 s3, s2  }
0x8d: {  	s2 =	sadd.s32 s2, s16  }
0x8e: {  	[smem:$0x3FB4] =	sst s2  }
0x8f: {  	_ = 	snop  }
0x90: {  	(tm) =	ssettm $0x1  }
0x91: {  	s17 =	sld [smem:$0x3FFB];
	_ =	sdelay $0x3  }
0x92: {  	_ =	strace s17  }
0x93: {  	s2 =	sld [smem:$0x3FFC];
	_ =	sdelay $0x3  }
0x94: {  	_ =	strace s2  }
0x95: {  	s2 =	sld [smem:$0x3FFD];
	_ =	sdelay $0x3  }
0x96: {  	_ =	strace s2  }
0x97: {  	_ =	strace $0x8FFFFFFF  }
0x98: {  	s18 =	sld [smem:$0x3FDB];
	_ =	sdelay $0x1  }
0x99: {  	s19 =	simm.s32 $_scs_section_size  }
0x9a: {  	s4 =	simm.s32 $_size__tile_overlayer_lowered;
	s5 =	simm.s32 $_tile_overlayer_lowered  }
0x9b: {  	s22 =	simm.s32 $0x1BFF;
	s21 =	sshll.u32 s5, $0x1;
	s2 =	sadd.s32 s19, s18  }
0x9c: {  	s6 =	simm.s32 $0x0;
	s20 =	sshll.u32 s4, $0x1;
	s4 =	sadd.s32 s21, s2  }
0x9d: {  	[timem:s6], [sflag:s22] =	dma.local [hbm:s4], s20  }
0x9e: {  	_ =	swait.ge [sflag:s22], s20  }
0x9f: {  	s3 =	ssub.s32 $0x0, s20;
	[sflag:s22] =	ssyncset.done $0x0  }
0xa0: {  	[sflag:s22] =	ssyncadd.s32 s3;
	_ =	sdelay $0x1  }
0xa1: {  	s23 =	simm.s32 $0x1B8B  }
0xa2: {  	_ =	swait.ge [sflag:s23], $0x1  }
0xa3: {  	[sflag:s23] =	ssyncset.done $0x0  }
0xa4: {  	s25 =	simm.s32 $0x1B8E;
	s24 =	sld [smem:$0x3FFE];
	[sflag:s23] =	ssyncadd.s32 $0xFFFFFFFF  }
0xa5: {  	s26 =	simm.s32 $execute0_lowered;
	[smem:$0x3FD2] =	sst s25  }
0xa6: {  	s4 =	sshll.u32 s26, $0x1;
	_ =	strace $0x8000004C;
	[dreg:$0x1] =	wrdreg $0xFFFFFFFF  }
0xa7: {  	s28 =	simm.s32 $_size_execute0_lowered;
	s2 =	sadd.s32 s2, s4;
	[dreg:$0x0] =	wrdreg $0x0  }
0xa8: {  	s4 =	sshll.u32 s28, $0x1;
	[dreg:$0x2] =	wrdreg s2  }
0xa9: {  	[dreg:$0x3] =	wrdreg s4  }
0xaa: {  	[dreg:$0x4] =	wrdreg $0xC0  }
0xab: {  	_ =	task [dreg:s6], $0x5FFFF  }
0xac: {  	[dreg:$0x1] =	wrdreg $0xFFFFFFFF  }
0xad: {  	[dreg:$0x0] =	wrdreg $0x60  }
0xae: {  	[dreg:$0x2] =	wrdreg s24  }
0xaf: {  	[dreg:$0x3] =	wrdreg $0x17C000  }
0xb0: {  	[dreg:$0x4] =	wrdreg $0x9  }
0xb1: {  	_ =	task.clear_ibuf [dreg:s6], $0x5FFFF;
	_ =	strace $0x9000004C  }
0xb2: {  	s29 =	simm.s32 $0x9;
	_ =	strace $0x8000004E  }
0xb3: {  	_ =	swait.ge [sflag:s29], $0x1  }
0xb4: {  	[sflag:s29] =	ssyncadd.s32 $0xFFFFFFFF  }
0xb5: {  	_ =	strace $0x9000004E  }
0xb6: {  	_ =	sfence  }
0xb7: {  	s30 =	sld [smem:$0x0];
	_ =	sdelay $0x2  }
0xb8: {  	s31 =	sshll.u32 s1, $0xD;
	s1 =	sshrl.u32 s1, $0x2  }
0xb9: {  	s3 =	sand.u32 $0x4000, s31;
	s1 =	sadd.s32 s1, s30  }
0xba: {  	s0 =	sor.u32 s3, s0;
	s1 =	sshll.u32 s1, $0x11  }
0xbb: {  	s0 =	sor.u32 s1, s0  }
0xbc: {  	s0 =	sadd.s32 $0x8F2B, s0  }
0xbd: {  	[sflag:s0] =	ssyncadd.remote.s32 $0x1  }
0xbe: {  	_ =	sfence.sel $0xFFFF  }
0xbf: {  	[dreg:$0x0] =	wrdreg $0xFFFFFFFF;
	(pc) =	sbr.abs _section_cstart, $3  }
0xc0: {  	[dreg:$0x1] =	wrdreg $0xFFFFFFFF  }
0xc1: {  	_ =	task.clear_ibuf [dreg:s6], $0x2FFFF;
	_ =	strace $0x9FFFFFFF  }
0xc2: {  	(tm) =	ssettm $0x7FFFFFFF  }
0xc3: {  	_ =	shalt  }
tec
execute0_lowered:
.L_overlay_start_1:
0x0: {  	(tag) =	ssettag $0x1  }
0x1: {  	s1 =	srdreg.scid;
	s6 =	rddreg [dreg:$0x0]  }
0x2: {  	s0 =	stileid.u32;
	s2 =	rddreg [dreg:$0x1];
	s3 =	simm.s32 $0x0  }
0x3: {  	s16 =	simm.s32 $0x1;
	s17 =	simm.s32 $0x15400;
	s18 =	simm.s32 $0x0  }
0x4: {  	s12 =	sand.u32 $0x1, s1;
	s1 =	rddreg [dreg:$0x2];
	s8 =	smul.u32 $0x2800, s0  }
0x5: {  	s29 =	sshll.u32 s0, $0x1;
	[smem:$0x7FF] =	sst s3;
	s11 =	smul.u32 $0xA000, s0  }
0x6: {  	s31 =	sshll.u32 s0, $0x6;
	s4 =	sor.u32 s12, s29;
	_ =	strace $0x8000004D  }
0x7: {  	s7 =	ssub.s32 $0x2, s12;
	p0 =	sne.s32 s12, $0x0;
	s5 =	smul.u32 $0x2800, s4  }
0x8: {  	s12 =	sor.u32 $0x1C02, s31;
	s4 =	smul.u32 $0x280, s4;
	s14 =	sshrl.u32 s7, $0x1  }
0x9: {  	s30 =	sshrl.u32 s11, $0x2;
	s15 =	sadd.s32 s8, s2;
	s14 =	ssub.s32 s7, s14  }
.Ltmp0:
0xa: {  	s7 =	sadd.s32 s30, s2;
	s10 =	sadd.s32 s5, s6;
	(pc) =	sbr.rel .LBB2_1-.Ltmp0, $4  }
0xb: {  	s9 =	sadd.s32 s4, s6;
	s4 =	sshrl.u32 s8, $0x3;
	s5 =	sadd.s32 $0xC7C00, s6  }
0xc: {  	s11 =	smax.u32 s14, $0x1;
	s14 =	simm.s32 $0x2;
	s13 =	sadd.s32 s4, s6  }
0xd: {  	s6 =	sadd.s32 $0xCCC00, s6;
	s9 =	sadd.s32 $0xC2C00, s9;
	s10 =	sadd.s32 $0x5BC00, s10  }
0xe: {  	v0 =	vimm.f32 $0.0e+00;
	s8 =	sadd.s32 $0xBDC00, s13;
	s13 =	sshrl.u32 s15, $0x3;
	s15 =	simm.s32 $0x1400  }
.LBB2_2:
0xf: {  	[spmem:s13], [sflag:s12] =	dma.local [hbm:s8], $0x500  }
0x10: {  	_ =	swait.ge [sflag:s14], $0x500  }
0x11: {  	[sflag:s14] =	ssyncset.done $0x0  }
0x12: {  	s19 =	smov.u32 s5;
	[sflag:s14] =	ssyncadd.s32 $0xFFFFFB00  }
.LBB2_6:
0x13: {  	[bflag:$0x0] =	sbarrier.arrive $0xFFFF  }
0x14: {  	[tilespmem:s3], [sflag:$0x2] =	stream.linear.gather [hbm4b:s9+s3], $0x1400, $0x38;
	[tilespmem:$0x1A400] =	vst v63  }
0x15: {  	_ =	swait.ge [sflag:s14], $0x1400  }
0x16: {  	[sflag:s14] =	ssyncset.done $0x0  }
0x17: {  	[sflag:s14] =	ssyncadd.s32 $0xFFFFEC00  }
0x18: {  	[tilespmem:s15], [sflag:$0x2] =	stream.linear.gather [hbm4b:s10+s3], $0x14000, $0x38;
	[tilespmem:$0x1A400] =	vst v63  }
0x19: {  	_ =	swait.ge [sflag:s14], $0x14000  }
0x1a: {  	[sflag:s14] =	ssyncset.done $0x0  }
0x1b: {  	[sflag:s14] =	ssyncadd.s32 $0xFFFEC000  }
0x1c: {  	[spmem:s2] =	stream.indirect.scatter.add.f32 [tilespmem:s15], [sflag:$0x1], $0x10, s3, s15, $0xb8;
	[tilespmem:$0x1A400] =	vst v63  }
0x1d: {  	_ =	swait.ge [sflag:s16], $0x14000  }
0x1e: {  	s18 =	sadd.s32 $0x1, s18;
	[sflag:s16] =	ssyncset.done $0x0  }
0x1f: {  	p1 =	sne.s32 s18, s11;
	[sflag:s16] =	ssyncadd.s32 $0xFFFEC000  }
.Ltmp1:
0x20: {  	s19 =	sadd.s32 s19, s4;
	[bflag:$0x0] =	sbarrier.arrive $0xFFFF;
	(pc) =	sbr.rel @!p1 .LBB2_7-.Ltmp1, $4  }
0x21: {  	[hbm:s19], [sflag:s12] =	dma.local [spmem:s13], $0x500  }
0x22: {  	_ =	swait.ge [sflag:s14], $0x500  }
0x23: {  	[sflag:s14] =	ssyncset.done $0x0  }
0x24: {  	[sflag:s14] =	ssyncadd.s32 $0xFFFFFB00  }
.LBB2_1:
.Ltmp2:
0x25: {  	(pc) =	sbr.rel @!p0 .LBB2_2-.Ltmp2, $1  }
0x26: {  	_ =	sdelay $0x3  }
0x27: {  	s19 =	simm.s32 $0x40;
	s20 =	simm.s32 $0x0  }
.LBB2_4:
0x28: {  	p1 =	sne.s32 s19, $0x9FC0;
	[tilespmem:s20+$0x15400] =	vst v0;
	s20 =	smov.u32 s19;
	s19 =	sadd.s32 $0x40, s19  }
.Ltmp3:
0x29: {  	(pc) =	sbr.rel @p1 .LBB2_4-.Ltmp3, $2  }
0x2a: {  	_ =	sdelay $0x2  }
0x2b: {  	s20 =	sshra.s32 s20, $0x2  }
.Ltmp4:
0x2c: {  	[tilespmem:s20+$0x15400] =	vst v0;
	(pc) =	sbr.rel .LBB2_6-.Ltmp4, $4  }
0x2d: {  	[spmem:s7] =	stream.linear.scatter [tilespmem:s17], [sflag:$0x2], $0x2800, $0x38;
	[tilespmem:$0x1A400] =	vst v63  }
0x2e: {  	_ =	swait.ge [sflag:s14], $0x2800  }
0x2f: {  	[sflag:s14] =	ssyncset.done $0x0  }
0x30: {  	s19 =	smov.u32 s6;
	[sflag:s14] =	ssyncadd.s32 $0xFFFFD800  }
.LBB2_7:
0x31: {  	_ =	sfence.sel $0x180000  }
0x32: {  	[bflag:$0x0] =	sbarrier.arrive $0xFFFF  }
0x33: {  	p0 =	sne.s32 s0, $0x0;
	_ =	strace $0x9000004D  }
0x34: {  	s0 =	sadd.s32 @!p0 $0x100000, s1;
	[bflag:$0x2] =	sbarrier.arrive $0xFFFF  }
0x35: {  	[sflag:s0] =	ssyncadd.tile.s32 @!p0 $0x1;
	_ =	shalt  }
.Lfunc_end2:
_tile_overlayer_lowered:
.L_overlay_start_2:
0x36: {  	(tag) =	ssettag $0x2  }
0x37: {  	s0 =	rddreg [dreg:$0x0];
	s2 =	stileid.u32  }
0x38: {  	s1 =	rddreg [dreg:$0x1];
	p0 =	sne.s32 s2, $0x0  }
0x39: {  	s3 =	rddreg [dreg:$0x2];
	[bflag:$0x3] =	sbarrier.arrive $0xFFFF;
	s2 =	simm.s32 @!p0 $0x1C02  }
0x3a: {  	[timem:s3], [sflag:s2] =	dma.local @!p0 [hbm:s0], s1  }
0x3b: {  	s0 =	simm.s32 @!p0 $0x2  }
0x3c: {  	_ =	swait.ge @!p0 [sflag:s0], s1  }
0x3d: {  	s1 =	ssub.s32 @!p0 $0x0, s1;
	[sflag:s0] =	ssyncset.done @!p0 $0x0  }
0x3e: {  	[sflag:s0] =	ssyncadd.s32 @!p0 s1  }
0x3f: {  	[bflag:$0x3] =	sbarrier.arrive $0xFFFF  }
0x40: {  	_ =	shalt  }

// kernel: kernel.23.cloned.1.call-start
scs
__scs_entry_jumppad:
0x0: {  	(pc) =	sbr.rel $0x88, $3  }
0x1: {  	(tag) =	ssettag $0x0;
	lr =	simm.s32 $0x1  }
0x2: {  	[smem:$0x3F8D] =	sst lr;
	_ =	strace $0xD0000000  }
0x3: {  	_ = 	snop  }
0x4: {  	_ = 	snop  }
0x5: {  	_ = 	snop  }
0x6: {  	_ = 	snop  }
0x7: {  	_ = 	snop  }
__scs_overlays_trampoline_lowered:
0x8: {  	[smem:$0x3F9C] =	sst s0  }
0x9: {  	[smem:$0x3F9D] =	sst s1  }
0xa: {  	[smem:$0x3F9E] =	sst s2  }
0xb: {  	[smem:$0x3F9F] =	sst s3  }
0xc: {  	[smem:$0x3FA0] =	sst s4  }
0xd: {  	[smem:$0x3FA1] =	sst s5  }
0xe: {  	[smem:$0x3FA2] =	sst s6  }
0xf: {  	[smem:$0x3FA3] =	sst s7  }
0x10: {  	[smem:$0x3FA4] =	sst s8  }
0x11: {  	[smem:$0x3FA5] =	sst s9;
	s0 =	simm.s32 @!p0 $0x0  }
0x12: {  	s1 =	sld [smem:$0x3F8B];
	s0 =	simm.s32 @p0 $0x1  }
0x13: {  	[smem:$0x3FA6] =	sst s0;
	s0 =	simm.s32 @!p1 $0x0  }
0x14: {  	s2 =	sld [smem:$0x3F8A];
	s0 =	simm.s32 @p1 $0x1  }
0x15: {  	[smem:$0x3FA7] =	sst s0;
	s0 =	simm.s32 @!p2 $0x0  }
0x16: {  	s3 =	sld [smem:$0x3FDB];
	s0 =	simm.s32 @p2 $0x1  }
0x17: {  	s4 =	simm.s32 $0x1BF5;
	[smem:$0x3FA9] =	sst s0  }
0x18: {  	s0 =	sld [smem:$0x3F8C];
	_ =	swait.ge [sflag:s4], $0x0  }
0x19: {  	s7 =	sld [smem:$0x3F8D]  }
0x1a: {  	s8 =	sadd.s32 $0xFFFFE003, lr  }
0x1b: {  	s9 =	sadd.s32 $0xFFFFFEF7, lr;
	s5 =	simm.s32 $0xFFFFFFFF;
	p2 =	slt.u32 s8, $0xFFFFF086  }
0x1c: {  	p1 =	slt.u32 s9, $0xF7A;
	s5 =	simm.s32 @!p2 $0x0  }
0x1d: {  	s5 =	simm.s32 @p1 $0x1;
	p0 =	seq.s32 s7, s2  }
0x1e: {  	s7 =	smul.u32 @!p0 $0xF7A, s2;
	p2 =	seq.s32 @!p0 s5, $0x0  }
0x1f: {  	s9 =	smul.u32 $0xF7A, s1;
	s8 =	simm.s32 @!p0 $0x1BF5;
	p2 =	por !p2, p0  }
0x20: {  	[sflag:s8] =	ssyncset.s32 @!p0 $0xFFFFF086;
	s6 =	sadd.s32 @!p0 s3, s7;
	s7 =	simm.s32 @!p0 $0x108  }
0x21: {  	s3 =	sadd.s32 s3, s9;
	s6 =	sadd.s32 @!p0 $0x88, s6;
	s7 =	simm.s32 @p2 $0x1082  }
0x22: {  	[simem:s7], [sflag:s8] =	dma.local @!p0 [hbm:s6], $0xF7A  }
0x23: {  	s9 =	sor.u32 $0xD0000000, s2;
	s6 =	simm.s32 $0x108;
	_ =	swait.ge @!p0 [sflag:s8], $0x0  }
0x24: {  	s3 =	sadd.s32 $0x88, s3;
	s6 =	simm.s32 @!p1 $0x1082;
	[sflag:s4] =	ssyncset.s32 $0xFFFFF086  }
0x25: {  	[simem:s6], [sflag:s4] =	dma.local [hbm:s3], $0xF7A  }
0x26: {  	[smem:$0x3F8D] =	sst s1;
	(tag) =	ssettag s2;
	_ =	strace s9  }
0x27: {  	s1 =	sld [smem:$0x3F9D]  }
0x28: {  	s2 =	sld [smem:$0x3F9E]  }
0x29: {  	s4 =	sld [smem:$0x3FA0]  }
0x2a: {  	p0 =	seq.s32 s5, $0x0;
	s5 =	sld [smem:$0x3FA1]  }
0x2b: {  	s6 =	sld [smem:$0x3FA2]  }
0x2c: {  	s7 =	sld [smem:$0x3FA3]  }
0x2d: {  	s3 =	simm.s32 $0x108;
	s8 =	sld [smem:$0x3FA4]  }
0x2e: {  	s3 =	simm.s32 @!p0 $0x1082;
	s9 =	sld [smem:$0x3FA5]  }
0x2f: {  	lr =	sadd.s32 s0, s3;
	s0 =	sld [smem:$0x3F9C]  }
0x30: {  	s3 =	sld [smem:$0x3F9F]  }
0x31: {  	[smem:$0x3FA8] =	sst s10  }
0x32: {  	s10 =	sld [smem:$0x3FA6];
	_ =	sdelay $0x3  }
0x33: {  	p0 =	seq.s32 s10, $0x1;
	s10 =	sld [smem:$0x3FA8];
	_ =	sdelay $0x3  }
0x34: {  	[smem:$0x3FA8] =	sst s10  }
0x35: {  	s10 =	sld [smem:$0x3FA7];
	_ =	sdelay $0x3  }
0x36: {  	p1 =	seq.s32 s10, $0x1;
	s10 =	sld [smem:$0x3FA8];
	_ =	sdelay $0x3  }
0x37: {  	[smem:$0x3FA8] =	sst s10  }
0x38: {  	s10 =	sld [smem:$0x3FA9]  }
0x39: {  	_ = 	snop;
	(pc) =	sbr.ind lr, $3  }
0x3a: {  	_ = 	snop  }
0x3b: {  	_ = 	snop  }
0x3c: {  	p2 =	seq.s32 s10, $0x1;
	s10 =	sld [smem:$0x3FA8]  }
0x3d: {  	_ =	shalt  }
0x3e: {  	_ =	shalt  }
0x3f: {  	_ =	shalt  }
0x40: {  	_ =	shalt  }
0x41: {  	_ =	shalt  }
0x42: {  	_ =	shalt  }
0x43: {  	_ =	shalt  }
0x44: {  	_ =	shalt  }
0x45: {  	_ =	shalt  }
0x46: {  	_ =	shalt  }
0x47: {  	_ =	shalt  }
0x48: {  	_ =	shalt  }
0x49: {  	_ =	shalt  }
0x4a: {  	_ =	shalt  }
0x4b: {  	_ =	shalt  }
0x4c: {  	_ =	shalt  }
0x4d: {  	_ =	shalt  }
0x4e: {  	_ =	shalt  }
0x4f: {  	_ =	shalt  }
0x50: {  	_ =	shalt  }
0x51: {  	_ =	shalt  }
0x52: {  	_ =	shalt  }
0x53: {  	_ =	shalt  }
0x54: {  	_ =	shalt  }
0x55: {  	_ =	shalt  }
0x56: {  	_ =	shalt  }
0x57: {  	_ =	shalt  }
0x58: {  	_ =	shalt  }
0x59: {  	_ =	shalt  }
0x5a: {  	_ =	shalt  }
0x5b: {  	_ =	shalt  }
0x5c: {  	_ =	shalt  }
0x5d: {  	_ =	shalt  }
0x5e: {  	_ =	shalt  }
0x5f: {  	_ =	shalt  }
0x60: {  	_ =	shalt  }
0x61: {  	_ =	shalt  }
0x62: {  	_ =	shalt  }
0x63: {  	_ =	shalt  }
0x64: {  	_ =	shalt  }
0x65: {  	_ =	shalt  }
0x66: {  	_ =	shalt  }
0x67: {  	_ =	shalt  }
0x68: {  	_ =	shalt  }
0x69: {  	_ =	shalt  }
0x6a: {  	_ =	shalt  }
0x6b: {  	_ =	shalt  }
0x6c: {  	_ =	shalt  }
0x6d: {  	_ =	shalt  }
0x6e: {  	_ =	shalt  }
0x6f: {  	_ =	shalt  }
0x70: {  	_ =	shalt  }
0x71: {  	_ =	shalt  }
0x72: {  	_ =	shalt  }
0x73: {  	_ =	shalt  }
0x74: {  	_ =	shalt  }
0x75: {  	_ =	shalt  }
0x76: {  	_ =	shalt  }
0x77: {  	_ =	shalt  }
0x78: {  	_ =	shalt  }
0x79: {  	_ =	shalt  }
0x7a: {  	_ =	shalt  }
0x7b: {  	_ =	shalt  }
0x7c: {  	_ =	shalt  }
0x7d: {  	_ =	shalt  }
0x7e: {  	_ =	shalt  }
0x7f: {  	_ =	shalt  }
0x80: {  	_ =	shalt  }
0x81: {  	_ =	shalt  }
0x82: {  	_ =	shalt  }
0x83: {  	_ =	shalt  }
0x84: {  	_ =	shalt  }
0x85: {  	_ =	shalt  }
0x86: {  	_ =	shalt  }
0x87: {  	_ =	shalt  }
.Lfunc_end0:
.L_simem_size_0:
called_computation.3_lowered:
.L_overlay_start_0:
0x88: {  	s2 =	sld [smem:$0x3FD9]  }
0x89: {  	s3 =	sld [smem:$0x3FFE];
	_ =	sdelay $0x1  }
0x8a: {  	s1 =	srdreg.scid  }
0x8b: {  	s0 =	sand.u32 $0x1, s1  }
0x8c: {  	s16 =	sshll.u32 s0, $0xA;
	s2 =	sadd.s32 s3, s2  }
0x8d: {  	s2 =	sadd.s32 s2, s16  }
0x8e: {  	[smem:$0x3FB4] =	sst s2  }
0x8f: {  	_ = 	snop  }
0x90: {  	(tm) =	ssettm $0x1  }
0x91: {  	s17 =	sld [smem:$0x3FFB];
	_ =	sdelay $0x3  }
0x92: {  	_ =	strace s17  }
0x93: {  	s2 =	sld [smem:$0x3FFC];
	_ =	sdelay $0x3  }
0x94: {  	_ =	strace s2  }
0x95: {  	s2 =	sld [smem:$0x3FFD];
	_ =	sdelay $0x3  }
0x96: {  	_ =	strace s2  }
0x97: {  	_ =	strace $0x8FFFFFFF  }
0x98: {  	s18 =	sld [smem:$0x3FDB];
	_ =	sdelay $0x1  }
0x99: {  	s19 =	simm.s32 $_scs_section_size  }
0x9a: {  	s4 =	simm.s32 $_size__tile_overlayer_lowered;
	s5 =	simm.s32 $_tile_overlayer_lowered  }
0x9b: {  	s22 =	simm.s32 $0x1BFF;
	s21 =	sshll.u32 s5, $0x1;
	s2 =	sadd.s32 s19, s18  }
0x9c: {  	s6 =	simm.s32 $0x0;
	s20 =	sshll.u32 s4, $0x1;
	s4 =	sadd.s32 s21, s2  }
0x9d: {  	[timem:s6], [sflag:s22] =	dma.local [hbm:s4], s20  }
0x9e: {  	_ =	swait.ge [sflag:s22], s20  }
0x9f: {  	s3 =	ssub.s32 $0x0, s20;
	[sflag:s22] =	ssyncset.done $0x0  }
0xa0: {  	[sflag:s22] =	ssyncadd.s32 s3;
	_ =	sdelay $0x1  }
0xa1: {  	s23 =	simm.s32 $0x1B8B  }
0xa2: {  	_ =	swait.ge [sflag:s23], $0x1  }
0xa3: {  	[sflag:s23] =	ssyncset.done $0x0  }
0xa4: {  	s25 =	simm.s32 $0x1B8E;
	s24 =	sld [smem:$0x3FFE];
	[sflag:s23] =	ssyncadd.s32 $0xFFFFFFFF  }
0xa5: {  	s26 =	simm.s32 $execute0_lowered;
	[smem:$0x3FD2] =	sst s25  }
0xa6: {  	s4 =	sshll.u32 s26, $0x1;
	_ =	strace $0x8000004F;
	[dreg:$0x1] =	wrdreg $0xFFFFFFFF  }
0xa7: {  	s28 =	simm.s32 $_size_execute0_lowered;
	s2 =	sadd.s32 s2, s4;
	[dreg:$0x0] =	wrdreg $0x0  }
0xa8: {  	s4 =	sshll.u32 s28, $0x1;
	[dreg:$0x2] =	wrdreg s2  }
0xa9: {  	[dreg:$0x3] =	wrdreg s4  }
0xaa: {  	[dreg:$0x4] =	wrdreg $0xC0  }
0xab: {  	_ =	task [dreg:s6], $0x5FFFF  }
0xac: {  	[dreg:$0x1] =	wrdreg $0xFFFFFFFF  }
0xad: {  	[dreg:$0x0] =	wrdreg $0x60  }
0xae: {  	[dreg:$0x2] =	wrdreg s24  }
0xaf: {  	[dreg:$0x3] =	wrdreg $0x154000  }
0xb0: {  	[dreg:$0x4] =	wrdreg $0x9  }
0xb1: {  	_ =	task.clear_ibuf [dreg:s6], $0x5FFFF;
	_ =	strace $0x9000004F  }
0xb2: {  	s29 =	simm.s32 $0x9;
	_ =	strace $0x80000051  }
0xb3: {  	_ =	swait.ge [sflag:s29], $0x1  }
0xb4: {  	[sflag:s29] =	ssyncadd.s32 $0xFFFFFFFF  }
0xb5: {  	_ =	strace $0x90000051  }
0xb6: {  	_ =	sfence  }
0xb7: {  	s30 =	sld [smem:$0x0];
	_ =	sdelay $0x2  }
0xb8: {  	s31 =	sshll.u32 s1, $0xD;
	s1 =	sshrl.u32 s1, $0x2  }
0xb9: {  	s3 =	sand.u32 $0x4000, s31;
	s1 =	sadd.s32 s1, s30  }
0xba: {  	s0 =	sor.u32 s3, s0;
	s1 =	sshll.u32 s1, $0x11  }
0xbb: {  	s0 =	sor.u32 s1, s0  }
0xbc: {  	s0 =	sadd.s32 $0x8F2B, s0  }
0xbd: {  	[sflag:s0] =	ssyncadd.remote.s32 $0x1  }
0xbe: {  	_ =	sfence.sel $0xFFFF  }
0xbf: {  	[dreg:$0x0] =	wrdreg $0xFFFFFFFF;
	(pc) =	sbr.abs _section_cstart, $3  }
0xc0: {  	[dreg:$0x1] =	wrdreg $0xFFFFFFFF  }
0xc1: {  	_ =	task.clear_ibuf [dreg:s6], $0x2FFFF;
	_ =	strace $0x9FFFFFFF  }
0xc2: {  	(tm) =	ssettm $0x7FFFFFFF  }
0xc3: {  	_ =	shalt  }
tec
execute0_lowered:
.L_overlay_start_1:
0x0: {  	(tag) =	ssettag $0x1  }
0x1: {  	s11 =	rddreg [dreg:$0x0]  }
0x2: {  	s2 =	rddreg [dreg:$0x1]  }
0x3: {  	s0 =	rddreg [dreg:$0x2]  }
0x4: {  	s1 =	stileid.u32;
	s5 =	srdreg.scid;
	s3 =	simm.s32 $0x0  }
0x5: {  	s4 =	smul.u32 $0x2710, s1;
	s9 =	sand.u32 $0x1, s5;
	s26 =	sshll.u32 s1, $0x1  }
0x6: {  	[smem:$0x7FF] =	sst s3;
	s30 =	sshll.u32 s1, $0x6;
	s10 =	sor.u32 s9, s26  }
0x7: {  	_ =	strace $0x80000050;
	s5 =	sor.u32 $0x1C02, s30;
	s6 =	sshrl.u32 s4, $0x3  }
0x8: {  	s8 =	smul.u32 $0x280, s10;
	s29 =	sadd.s32 s4, s2;
	s28 =	sadd.s32 s6, s11  }
0x9: {  	s7 =	sshrl.u32 s29, $0x3;
	s6 =	simm.s32 $0x2;
	s4 =	sadd.s32 $0xBDC00, s28  }
0xa: {  	[spmem:s7], [sflag:s5] =	dma.local [hbm:s4], $0x4E2  }
0xb: {  	_ =	swait.ge [sflag:s6], $0x4E2  }
0xc: {  	s8 =	sadd.s32 s8, s11;
	[sflag:s6] =	ssyncset.done $0x0  }
0xd: {  	s8 =	sadd.s32 $0x56C00, s8;
	[sflag:s6] =	ssyncadd.s32 $0xFFFFFB1E  }
0xe: {  	[tilespmem:s3], [sflag:$0x2] =	stream.linear.gather [hbm4b:s8+s3], $0x1400, $0x38;
	[tilespmem:$0x17B10] =	vst v63  }
0xf: {  	s13 =	ssub.s32 $0x2, s9;
	s9 =	simm.s32 $0x1400;
	_ =	swait.ge [sflag:s6], $0x1400  }
0x10: {  	s12 =	smul.u32 $0x2800, s10;
	s14 =	sshrl.u32 s13, $0x1;
	[sflag:s6] =	ssyncset.done $0x0  }
0x11: {  	s10 =	simm.s32 $0x1;
	s31 =	ssub.s32 s13, s14;
	[sflag:s6] =	ssyncadd.s32 $0xFFFFEC00  }
0x12: {  	s11 =	sadd.s32 s12, s11;
	s12 =	smax.u32 s31, $0x1;
	[bflag:$0x0] =	sbarrier.arrive $0xFFFF  }
0x13: {  	[tilespmem:s9], [sflag:$0x1] =	stream.indirect.gather [spmem:s2], $0x10, s3, s9, $0xb8;
	[tilespmem:$0x17B10] =	vst v63  }
0x14: {  	p0 =	sne.s32 s12, $0x1;
	_ =	swait.ge [sflag:s10], $0x14000  }
.Ltmp0:
0x15: {  	[sflag:s10] =	ssyncset.done $0x0;
	(pc) =	sbr.rel @!p0 .LBB2_2-.Ltmp0, $4  }
0x16: {  	s11 =	sadd.s32 $0x5BC00, s11;
	[sflag:s10] =	ssyncadd.s32 $0xFFFEC000  }
0x17: {  	[hbm4b:s11+s3] =	stream.linear.scatter [tilespmem:s9], [sflag:$0x2], $0x14000, $0x38;
	[tilespmem:$0x17B10] =	vst v63  }
0x18: {  	_ =	swait.ge [sflag:s6], $0x14000  }
0x19: {  	s12 =	sadd.s32 $0xFFFFFFFF, s12;
	[sflag:s6] =	ssyncset.done $0x0  }
.LBB2_1:
0x1a: {  	p0 =	sne.s32 s12, $0x1;
	s12 =	sadd.s32 $0xFFFFFFFF, s12;
	[sflag:s6] =	ssyncadd.s32 $0xFFFEC000  }
0x1b: {  	[spmem:s7], [sflag:s5] =	dma.local [hbm:s4], $0x4E2  }
0x1c: {  	_ =	swait.ge [sflag:s6], $0x4E2  }
0x1d: {  	[sflag:s6] =	ssyncset.done $0x0  }
0x1e: {  	[sflag:s6] =	ssyncadd.s32 $0xFFFFFB1E  }
0x1f: {  	[tilespmem:s3], [sflag:$0x2] =	stream.linear.gather [hbm4b:s8+s3], $0x1400, $0x38;
	[tilespmem:$0x17B10] =	vst v63  }
0x20: {  	_ =	swait.ge [sflag:s6], $0x1400  }
0x21: {  	[sflag:s6] =	ssyncset.done $0x0  }
0x22: {  	[sflag:s6] =	ssyncadd.s32 $0xFFFFEC00  }
0x23: {  	[bflag:$0x0] =	sbarrier.arrive $0xFFFF  }
0x24: {  	[tilespmem:s9], [sflag:$0x1] =	stream.indirect.gather [spmem:s2], $0x10, s3, s9, $0xb8;
	[tilespmem:$0x17B10] =	vst v63  }
0x25: {  	_ =	swait.ge [sflag:s10], $0x14000  }
.Ltmp1:
0x26: {  	[sflag:s10] =	ssyncset.done $0x0;
	(pc) =	sbr.rel @p0 .LBB2_1-.Ltmp1, $4  }
0x27: {  	[sflag:s10] =	ssyncadd.s32 $0xFFFEC000  }
0x28: {  	[hbm4b:s11+s3] =	stream.linear.scatter [tilespmem:s9], [sflag:$0x2], $0x14000, $0x38;
	[tilespmem:$0x17B10] =	vst v63  }
0x29: {  	_ =	swait.ge [sflag:s6], $0x14000  }
0x2a: {  	[sflag:s6] =	ssyncset.done $0x0  }
.LBB2_2:
0x2b: {  	[sflag:s6] =	ssyncadd.s32 $0xFFFEC000  }
0x2c: {  	_ =	sfence.sel $0x180000  }
0x2d: {  	[bflag:$0x0] =	sbarrier.arrive $0xFFFF  }
0x2e: {  	p0 =	sne.s32 s1, $0x0;
	_ =	strace $0x90000050  }
0x2f: {  	s0 =	sadd.s32 @!p0 $0x100000, s0;
	[bflag:$0x2] =	sbarrier.arrive $0xFFFF  }
0x30: {  	[sflag:s0] =	ssyncadd.tile.s32 @!p0 $0x1;
	_ =	shalt  }
.Lfunc_end2:
_tile_overlayer_lowered:
.L_overlay_start_2:
0x31: {  	(tag) =	ssettag $0x2  }
0x32: {  	s0 =	rddreg [dreg:$0x0];
	s2 =	stileid.u32  }
0x33: {  	s1 =	rddreg [dreg:$0x1];
	p0 =	sne.s32 s2, $0x0  }
0x34: {  	s3 =	rddreg [dreg:$0x2];
	[bflag:$0x3] =	sbarrier.arrive $0xFFFF;
	s2 =	simm.s32 @!p0 $0x1C02  }
0x35: {  	[timem:s3], [sflag:s2] =	dma.local @!p0 [hbm:s0], s1  }
0x36: {  	s0 =	simm.s32 @!p0 $0x2  }
0x37: {  	_ =	swait.ge @!p0 [sflag:s0], s1  }
0x38: {  	s1 =	ssub.s32 @!p0 $0x0, s1;
	[sflag:s0] =	ssyncset.done @!p0 $0x0  }
0x39: {  	[sflag:s0] =	ssyncadd.s32 @!p0 s1  }
0x3a: {  	[bflag:$0x3] =	sbarrier.arrive $0xFFFF  }
0x3b: {  	_ =	shalt  }

// kernel: kernel.26.cloned.1.call-start
scs
__scs_entry_jumppad:
0x0: {  	(pc) =	sbr.rel $0x88, $3  }
0x1: {  	(tag) =	ssettag $0x0;
	lr =	simm.s32 $0x1  }
0x2: {  	[smem:$0x3F8D] =	sst lr;
	_ =	strace $0xD0000000  }
0x3: {  	_ = 	snop  }
0x4: {  	_ = 	snop  }
0x5: {  	_ = 	snop  }
0x6: {  	_ = 	snop  }
0x7: {  	_ = 	snop  }
__scs_overlays_trampoline_lowered:
0x8: {  	[smem:$0x3F9C] =	sst s0  }
0x9: {  	[smem:$0x3F9D] =	sst s1  }
0xa: {  	[smem:$0x3F9E] =	sst s2  }
0xb: {  	[smem:$0x3F9F] =	sst s3  }
0xc: {  	[smem:$0x3FA0] =	sst s4  }
0xd: {  	[smem:$0x3FA1] =	sst s5  }
0xe: {  	[smem:$0x3FA2] =	sst s6  }
0xf: {  	[smem:$0x3FA3] =	sst s7  }
0x10: {  	[smem:$0x3FA4] =	sst s8  }
0x11: {  	[smem:$0x3FA5] =	sst s9;
	s0 =	simm.s32 @!p0 $0x0  }
0x12: {  	s1 =	sld [smem:$0x3F8B];
	s0 =	simm.s32 @p0 $0x1  }
0x13: {  	[smem:$0x3FA6] =	sst s0;
	s0 =	simm.s32 @!p1 $0x0  }
0x14: {  	s2 =	sld [smem:$0x3F8A];
	s0 =	simm.s32 @p1 $0x1  }
0x15: {  	[smem:$0x3FA7] =	sst s0;
	s0 =	simm.s32 @!p2 $0x0  }
0x16: {  	s3 =	sld [smem:$0x3FDB];
	s0 =	simm.s32 @p2 $0x1  }
0x17: {  	s4 =	simm.s32 $0x1BF5;
	[smem:$0x3FA9] =	sst s0  }
0x18: {  	s0 =	sld [smem:$0x3F8C];
	_ =	swait.ge [sflag:s4], $0x0  }
0x19: {  	s7 =	sld [smem:$0x3F8D]  }
0x1a: {  	s8 =	sadd.s32 $0xFFFFE003, lr  }
0x1b: {  	s9 =	sadd.s32 $0xFFFFFEF7, lr;
	s5 =	simm.s32 $0xFFFFFFFF;
	p2 =	slt.u32 s8, $0xFFFFF086  }
0x1c: {  	p1 =	slt.u32 s9, $0xF7A;
	s5 =	simm.s32 @!p2 $0x0  }
0x1d: {  	s5 =	simm.s32 @p1 $0x1;
	p0 =	seq.s32 s7, s2  }
0x1e: {  	s7 =	smul.u32 @!p0 $0xF7A, s2;
	p2 =	seq.s32 @!p0 s5, $0x0  }
0x1f: {  	s9 =	smul.u32 $0xF7A, s1;
	s8 =	simm.s32 @!p0 $0x1BF5;
	p2 =	por !p2, p0  }
0x20: {  	[sflag:s8] =	ssyncset.s32 @!p0 $0xFFFFF086;
	s6 =	sadd.s32 @!p0 s3, s7;
	s7 =	simm.s32 @!p0 $0x108  }
0x21: {  	s3 =	sadd.s32 s3, s9;
	s6 =	sadd.s32 @!p0 $0x88, s6;
	s7 =	simm.s32 @p2 $0x1082  }
0x22: {  	[simem:s7], [sflag:s8] =	dma.local @!p0 [hbm:s6], $0xF7A  }
0x23: {  	s9 =	sor.u32 $0xD0000000, s2;
	s6 =	simm.s32 $0x108;
	_ =	swait.ge @!p0 [sflag:s8], $0x0  }
0x24: {  	s3 =	sadd.s32 $0x88, s3;
	s6 =	simm.s32 @!p1 $0x1082;
	[sflag:s4] =	ssyncset.s32 $0xFFFFF086  }
0x25: {  	[simem:s6], [sflag:s4] =	dma.local [hbm:s3], $0xF7A  }
0x26: {  	[smem:$0x3F8D] =	sst s1;
	(tag) =	ssettag s2;
	_ =	strace s9  }
0x27: {  	s1 =	sld [smem:$0x3F9D]  }
0x28: {  	s2 =	sld [smem:$0x3F9E]  }
0x29: {  	s4 =	sld [smem:$0x3FA0]  }
0x2a: {  	p0 =	seq.s32 s5, $0x0;
	s5 =	sld [smem:$0x3FA1]  }
0x2b: {  	s6 =	sld [smem:$0x3FA2]  }
0x2c: {  	s7 =	sld [smem:$0x3FA3]  }
0x2d: {  	s3 =	simm.s32 $0x108;
	s8 =	sld [smem:$0x3FA4]  }
0x2e: {  	s3 =	simm.s32 @!p0 $0x1082;
	s9 =	sld [smem:$0x3FA5]  }
0x2f: {  	lr =	sadd.s32 s0, s3;
	s0 =	sld [smem:$0x3F9C]  }
0x30: {  	s3 =	sld [smem:$0x3F9F]  }
0x31: {  	[smem:$0x3FA8] =	sst s10  }
0x32: {  	s10 =	sld [smem:$0x3FA6];
	_ =	sdelay $0x3  }
0x33: {  	p0 =	seq.s32 s10, $0x1;
	s10 =	sld [smem:$0x3FA8];
	_ =	sdelay $0x3  }
0x34: {  	[smem:$0x3FA8] =	sst s10  }
0x35: {  	s10 =	sld [smem:$0x3FA7];
	_ =	sdelay $0x3  }
0x36: {  	p1 =	seq.s32 s10, $0x1;
	s10 =	sld [smem:$0x3FA8];
	_ =	sdelay $0x3  }
0x37: {  	[smem:$0x3FA8] =	sst s10  }
0x38: {  	s10 =	sld [smem:$0x3FA9]  }
0x39: {  	_ = 	snop;
	(pc) =	sbr.ind lr, $3  }
0x3a: {  	_ = 	snop  }
0x3b: {  	_ = 	snop  }
0x3c: {  	p2 =	seq.s32 s10, $0x1;
	s10 =	sld [smem:$0x3FA8]  }
0x3d: {  	_ =	shalt  }
0x3e: {  	_ =	shalt  }
0x3f: {  	_ =	shalt  }
0x40: {  	_ =	shalt  }
0x41: {  	_ =	shalt  }
0x42: {  	_ =	shalt  }
0x43: {  	_ =	shalt  }
0x44: {  	_ =	shalt  }
0x45: {  	_ =	shalt  }
0x46: {  	_ =	shalt  }
0x47: {  	_ =	shalt  }
0x48: {  	_ =	shalt  }
0x49: {  	_ =	shalt  }
0x4a: {  	_ =	shalt  }
0x4b: {  	_ =	shalt  }
0x4c: {  	_ =	shalt  }
0x4d: {  	_ =	shalt  }
0x4e: {  	_ =	shalt  }
0x4f: {  	_ =	shalt  }
0x50: {  	_ =	shalt  }
0x51: {  	_ =	shalt  }
0x52: {  	_ =	shalt  }
0x53: {  	_ =	shalt  }
0x54: {  	_ =	shalt  }
0x55: {  	_ =	shalt  }
0x56: {  	_ =	shalt  }
0x57: {  	_ =	shalt  }
0x58: {  	_ =	shalt  }
0x59: {  	_ =	shalt  }
0x5a: {  	_ =	shalt  }
0x5b: {  	_ =	shalt  }
0x5c: {  	_ =	shalt  }
0x5d: {  	_ =	shalt  }
0x5e: {  	_ =	shalt  }
0x5f: {  	_ =	shalt  }
0x60: {  	_ =	shalt  }
0x61: {  	_ =	shalt  }
0x62: {  	_ =	shalt  }
0x63: {  	_ =	shalt  }
0x64: {  	_ =	shalt  }
0x65: {  	_ =	shalt  }
0x66: {  	_ =	shalt  }
0x67: {  	_ =	shalt  }
0x68: {  	_ =	shalt  }
0x69: {  	_ =	shalt  }
0x6a: {  	_ =	shalt  }
0x6b: {  	_ =	shalt  }
0x6c: {  	_ =	shalt  }
0x6d: {  	_ =	shalt  }
0x6e: {  	_ =	shalt  }
0x6f: {  	_ =	shalt  }
0x70: {  	_ =	shalt  }
0x71: {  	_ =	shalt  }
0x72: {  	_ =	shalt  }
0x73: {  	_ =	shalt  }
0x74: {  	_ =	shalt  }
0x75: {  	_ =	shalt  }
0x76: {  	_ =	shalt  }
0x77: {  	_ =	shalt  }
0x78: {  	_ =	shalt  }
0x79: {  	_ =	shalt  }
0x7a: {  	_ =	shalt  }
0x7b: {  	_ =	shalt  }
0x7c: {  	_ =	shalt  }
0x7d: {  	_ =	shalt  }
0x7e: {  	_ =	shalt  }
0x7f: {  	_ =	shalt  }
0x80: {  	_ =	shalt  }
0x81: {  	_ =	shalt  }
0x82: {  	_ =	shalt  }
0x83: {  	_ =	shalt  }
0x84: {  	_ =	shalt  }
0x85: {  	_ =	shalt  }
0x86: {  	_ =	shalt  }
0x87: {  	_ =	shalt  }
.Lfunc_end0:
.L_simem_size_0:
called_computation.4_lowered:
.L_overlay_start_0:
0x88: {  	s2 =	sld [smem:$0x3FD9]  }
0x89: {  	s3 =	sld [smem:$0x3FFE];
	_ =	sdelay $0x1  }
0x8a: {  	s1 =	srdreg.scid  }
0x8b: {  	s0 =	sand.u32 $0x1, s1  }
0x8c: {  	s16 =	sshll.u32 s0, $0xA;
	s2 =	sadd.s32 s3, s2  }
0x8d: {  	s2 =	sadd.s32 s2, s16  }
0x8e: {  	[smem:$0x3FB4] =	sst s2  }
0x8f: {  	_ = 	snop  }
0x90: {  	(tm) =	ssettm $0x1  }
0x91: {  	s17 =	sld [smem:$0x3FFB];
	_ =	sdelay $0x3  }
0x92: {  	_ =	strace s17  }
0x93: {  	s2 =	sld [smem:$0x3FFC];
	_ =	sdelay $0x3  }
0x94: {  	_ =	strace s2  }
0x95: {  	s2 =	sld [smem:$0x3FFD];
	_ =	sdelay $0x3  }
0x96: {  	_ =	strace s2  }
0x97: {  	_ =	strace $0x8FFFFFFF  }
0x98: {  	s18 =	sld [smem:$0x3FDB];
	_ =	sdelay $0x1  }
0x99: {  	s19 =	simm.s32 $_scs_section_size  }
0x9a: {  	s4 =	simm.s32 $_size__tile_overlayer_lowered;
	s5 =	simm.s32 $_tile_overlayer_lowered  }
0x9b: {  	s22 =	simm.s32 $0x1BFF;
	s21 =	sshll.u32 s5, $0x1;
	s2 =	sadd.s32 s19, s18  }
0x9c: {  	s6 =	simm.s32 $0x0;
	s20 =	sshll.u32 s4, $0x1;
	s4 =	sadd.s32 s21, s2  }
0x9d: {  	[timem:s6], [sflag:s22] =	dma.local [hbm:s4], s20  }
0x9e: {  	_ =	swait.ge [sflag:s22], s20  }
0x9f: {  	s3 =	ssub.s32 $0x0, s20;
	[sflag:s22] =	ssyncset.done $0x0  }
0xa0: {  	[sflag:s22] =	ssyncadd.s32 s3;
	_ =	sdelay $0x1  }
0xa1: {  	s23 =	simm.s32 $0x1B8B  }
0xa2: {  	_ =	swait.ge [sflag:s23], $0x1  }
0xa3: {  	[sflag:s23] =	ssyncset.done $0x0  }
0xa4: {  	s25 =	simm.s32 $0x1B8E;
	s24 =	sld [smem:$0x3FFE];
	[sflag:s23] =	ssyncadd.s32 $0xFFFFFFFF  }
0xa5: {  	s26 =	simm.s32 $execute0_lowered;
	[smem:$0x3FD2] =	sst s25  }
0xa6: {  	s4 =	sshll.u32 s26, $0x1;
	_ =	strace $0x80000052;
	[dreg:$0x1] =	wrdreg $0xFFFFFFFF  }
0xa7: {  	s28 =	simm.s32 $_size_execute0_lowered;
	s2 =	sadd.s32 s2, s4;
	[dreg:$0x0] =	wrdreg $0x0  }
0xa8: {  	s4 =	sshll.u32 s28, $0x1;
	[dreg:$0x2] =	wrdreg s2  }
0xa9: {  	[dreg:$0x3] =	wrdreg s4  }
0xaa: {  	[dreg:$0x4] =	wrdreg $0xC0  }
0xab: {  	_ =	task [dreg:s6], $0x5FFFF  }
0xac: {  	[dreg:$0x1] =	wrdreg $0xFFFFFFFF  }
0xad: {  	[dreg:$0x0] =	wrdreg $0x60  }
0xae: {  	[dreg:$0x2] =	wrdreg s24  }
0xaf: {  	[dreg:$0x3] =	wrdreg $0x17C000  }
0xb0: {  	[dreg:$0x4] =	wrdreg $0x9  }
0xb1: {  	_ =	task.clear_ibuf [dreg:s6], $0x5FFFF;
	_ =	strace $0x90000052  }
0xb2: {  	s29 =	simm.s32 $0x9;
	_ =	strace $0x80000054  }
0xb3: {  	_ =	swait.ge [sflag:s29], $0x1  }
0xb4: {  	[sflag:s29] =	ssyncadd.s32 $0xFFFFFFFF  }
0xb5: {  	_ =	strace $0x90000054  }
0xb6: {  	_ =	sfence  }
0xb7: {  	s30 =	sld [smem:$0x0];
	_ =	sdelay $0x2  }
0xb8: {  	s31 =	sshll.u32 s1, $0xD;
	s1 =	sshrl.u32 s1, $0x2  }
0xb9: {  	s3 =	sand.u32 $0x4000, s31;
	s1 =	sadd.s32 s1, s30  }
0xba: {  	s0 =	sor.u32 s3, s0;
	s1 =	sshll.u32 s1, $0x11  }
0xbb: {  	s0 =	sor.u32 s1, s0  }
0xbc: {  	s0 =	sadd.s32 $0x8F2B, s0  }
0xbd: {  	[sflag:s0] =	ssyncadd.remote.s32 $0x1  }
0xbe: {  	_ =	sfence.sel $0xFFFF  }
0xbf: {  	[dreg:$0x0] =	wrdreg $0xFFFFFFFF;
	(pc) =	sbr.abs _section_cstart, $3  }
0xc0: {  	[dreg:$0x1] =	wrdreg $0xFFFFFFFF  }
0xc1: {  	_ =	task.clear_ibuf [dreg:s6], $0x2FFFF;
	_ =	strace $0x9FFFFFFF  }
0xc2: {  	(tm) =	ssettm $0x7FFFFFFF  }
0xc3: {  	_ =	shalt  }
tec
execute0_lowered:
.L_overlay_start_1:
0x0: {  	(tag) =	ssettag $0x1  }
0x1: {  	s1 =	srdreg.scid;
	s6 =	rddreg [dreg:$0x0]  }
0x2: {  	s0 =	stileid.u32;
	s2 =	rddreg [dreg:$0x1];
	s3 =	simm.s32 $0x0  }
0x3: {  	s16 =	simm.s32 $0x1;
	s17 =	simm.s32 $0x15400;
	s18 =	simm.s32 $0x0  }
0x4: {  	s12 =	sand.u32 $0x1, s1;
	s1 =	rddreg [dreg:$0x2];
	s8 =	smul.u32 $0x2800, s0  }
0x5: {  	s29 =	sshll.u32 s0, $0x1;
	[smem:$0x7FF] =	sst s3;
	s11 =	smul.u32 $0xA000, s0  }
0x6: {  	s31 =	sshll.u32 s0, $0x6;
	s4 =	sor.u32 s12, s29;
	_ =	strace $0x80000053  }
0x7: {  	s7 =	ssub.s32 $0x2, s12;
	p0 =	sne.s32 s12, $0x0;
	s5 =	smul.u32 $0x2800, s4  }
0x8: {  	s12 =	sor.u32 $0x1C02, s31;
	s4 =	smul.u32 $0x280, s4;
	s14 =	sshrl.u32 s7, $0x1  }
0x9: {  	s30 =	sshrl.u32 s11, $0x2;
	s15 =	sadd.s32 s8, s2;
	s14 =	ssub.s32 s7, s14  }
.Ltmp0:
0xa: {  	s7 =	sadd.s32 s30, s2;
	s10 =	sadd.s32 s5, s6;
	(pc) =	sbr.rel .LBB2_1-.Ltmp0, $4  }
0xb: {  	s9 =	sadd.s32 s4, s6;
	s4 =	sshrl.u32 s8, $0x3;
	s5 =	sadd.s32 $0xB0C00, s6  }
0xc: {  	s11 =	smax.u32 s14, $0x1;
	s14 =	simm.s32 $0x2;
	s13 =	sadd.s32 s4, s6  }
0xd: {  	s6 =	sadd.s32 $0xB5C00, s6;
	s9 =	sadd.s32 $0xC2C00, s9;
	s10 =	sadd.s32 $0x6C00, s10  }
0xe: {  	v0 =	vimm.f32 $0.0e+00;
	s8 =	sadd.s32 $0xABC00, s13;
	s13 =	sshrl.u32 s15, $0x3;
	s15 =	simm.s32 $0x1400  }
.LBB2_2:
0xf: {  	[spmem:s13], [sflag:s12] =	dma.local [hbm:s8], $0x500  }
0x10: {  	_ =	swait.ge [sflag:s14], $0x500  }
0x11: {  	[sflag:s14] =	ssyncset.done $0x0  }
0x12: {  	s19 =	smov.u32 s5;
	[sflag:s14] =	ssyncadd.s32 $0xFFFFFB00  }
.LBB2_6:
0x13: {  	[bflag:$0x0] =	sbarrier.arrive $0xFFFF  }
0x14: {  	[tilespmem:s3], [sflag:$0x2] =	stream.linear.gather [hbm4b:s9+s3], $0x1400, $0x38;
	[tilespmem:$0x1A400] =	vst v63  }
0x15: {  	_ =	swait.ge [sflag:s14], $0x1400  }
0x16: {  	[sflag:s14] =	ssyncset.done $0x0  }
0x17: {  	[sflag:s14] =	ssyncadd.s32 $0xFFFFEC00  }
0x18: {  	[tilespmem:s15], [sflag:$0x2] =	stream.linear.gather [hbm4b:s10+s3], $0x14000, $0x38;
	[tilespmem:$0x1A400] =	vst v63  }
0x19: {  	_ =	swait.ge [sflag:s14], $0x14000  }
0x1a: {  	[sflag:s14] =	ssyncset.done $0x0  }
0x1b: {  	[sflag:s14] =	ssyncadd.s32 $0xFFFEC000  }
0x1c: {  	[spmem:s2] =	stream.indirect.scatter.add.f32 [tilespmem:s15], [sflag:$0x1], $0x10, s3, s15, $0xb8;
	[tilespmem:$0x1A400] =	vst v63  }
0x1d: {  	_ =	swait.ge [sflag:s16], $0x14000  }
0x1e: {  	s18 =	sadd.s32 $0x1, s18;
	[sflag:s16] =	ssyncset.done $0x0  }
0x1f: {  	p1 =	sne.s32 s18, s11;
	[sflag:s16] =	ssyncadd.s32 $0xFFFEC000  }
.Ltmp1:
0x20: {  	s19 =	sadd.s32 s19, s4;
	[bflag:$0x0] =	sbarrier.arrive $0xFFFF;
	(pc) =	sbr.rel @!p1 .LBB2_7-.Ltmp1, $4  }
0x21: {  	[hbm:s19], [sflag:s12] =	dma.local [spmem:s13], $0x500  }
0x22: {  	_ =	swait.ge [sflag:s14], $0x500  }
0x23: {  	[sflag:s14] =	ssyncset.done $0x0  }
0x24: {  	[sflag:s14] =	ssyncadd.s32 $0xFFFFFB00  }
.LBB2_1:
.Ltmp2:
0x25: {  	(pc) =	sbr.rel @!p0 .LBB2_2-.Ltmp2, $1  }
0x26: {  	_ =	sdelay $0x3  }
0x27: {  	s19 =	simm.s32 $0x40;
	s20 =	simm.s32 $0x0  }
.LBB2_4:
0x28: {  	p1 =	sne.s32 s19, $0x9FC0;
	[tilespmem:s20+$0x15400] =	vst v0;
	s20 =	smov.u32 s19;
	s19 =	sadd.s32 $0x40, s19  }
.Ltmp3:
0x29: {  	(pc) =	sbr.rel @p1 .LBB2_4-.Ltmp3, $2  }
0x2a: {  	_ =	sdelay $0x2  }
0x2b: {  	s20 =	sshra.s32 s20, $0x2  }
.Ltmp4:
0x2c: {  	[tilespmem:s20+$0x15400] =	vst v0;
	(pc) =	sbr.rel .LBB2_6-.Ltmp4, $4  }
0x2d: {  	[spmem:s7] =	stream.linear.scatter [tilespmem:s17], [sflag:$0x2], $0x2800, $0x38;
	[tilespmem:$0x1A400] =	vst v63  }
0x2e: {  	_ =	swait.ge [sflag:s14], $0x2800  }
0x2f: {  	[sflag:s14] =	ssyncset.done $0x0  }
0x30: {  	s19 =	smov.u32 s6;
	[sflag:s14] =	ssyncadd.s32 $0xFFFFD800  }
.LBB2_7:
0x31: {  	_ =	sfence.sel $0x180000  }
0x32: {  	[bflag:$0x0] =	sbarrier.arrive $0xFFFF  }
0x33: {  	p0 =	sne.s32 s0, $0x0;
	_ =	strace $0x90000053  }
0x34: {  	s0 =	sadd.s32 @!p0 $0x100000, s1;
	[bflag:$0x2] =	sbarrier.arrive $0xFFFF  }
0x35: {  	[sflag:s0] =	ssyncadd.tile.s32 @!p0 $0x1;
	_ =	shalt  }
.Lfunc_end2:
_tile_overlayer_lowered:
.L_overlay_start_2:
0x36: {  	(tag) =	ssettag $0x2  }
0x37: {  	s0 =	rddreg [dreg:$0x0];
	s2 =	stileid.u32  }
0x38: {  	s1 =	rddreg [dreg:$0x1];
	p0 =	sne.s32 s2, $0x0  }
0x39: {  	s3 =	rddreg [dreg:$0x2];
	[bflag:$0x3] =	sbarrier.arrive $0xFFFF;
	s2 =	simm.s32 @!p0 $0x1C02  }
0x3a: {  	[timem:s3], [sflag:s2] =	dma.local @!p0 [hbm:s0], s1  }
0x3b: {  	s0 =	simm.s32 @!p0 $0x2  }
0x3c: {  	_ =	swait.ge @!p0 [sflag:s0], s1  }
0x3d: {  	s1 =	ssub.s32 @!p0 $0x0, s1;
	[sflag:s0] =	ssyncset.done @!p0 $0x0  }
0x3e: {  	[sflag:s0] =	ssyncadd.s32 @!p0 s1  }
0x3f: {  	[bflag:$0x3] =	sbarrier.arrive $0xFFFF  }
0x40: {  	_ =	shalt  }

</sc_bundles>
